<compile_context>
chip_gen: v7x
topology: tpu7x:2x2x1
jax: 0.10.2.dev20260603
libtpu: 0.0.44.dev20260713+nightly
codegen_flags: <defaults>
</compile_context>

<pallas_src>
import functools

import jax
import jax.numpy as jnp
from jax import lax
from jax.experimental import pallas as pl
from jax.experimental.pallas import tpu as pltpu
from jax.experimental.pallas import tpu_sc as plsc

KNN_K = 20


def _leaky(y):
    return jnp.where(y >= 0, y, 0.2 * y)


def _knn_body(xr_ref, xt_ref, wu_ref, wv_ref, bv_ref, idx_ref, u_ref, v_ref,
              *, K, N):
    b = pl.program_id(0)
    xr = xr_ref[0]
    xt = xt_ref[0]
    dots = jnp.dot(xr, xt, preferred_element_type=jnp.float32)
    xxr = jnp.sum(xr * xr, axis=1, keepdims=True)
    xxc = jnp.sum(xt * xt, axis=0, keepdims=True)
    pd = 2.0 * dots - xxr - xxc
    TN = pd.shape[0]
    col = lax.broadcasted_iota(jnp.int32, (TN, N), 1)
    kcol = lax.broadcasted_iota(jnp.int32, (TN, K), 1)

    def step(t, carry):
        pdc, acc = carry
        m = jnp.max(pdc, axis=1, keepdims=True)
        am = jnp.min(jnp.where(pdc == m, col, N), axis=1, keepdims=True)
        acc = jnp.where(kcol == t, am, acc)
        pdc = jnp.where(col == am, -jnp.inf, pdc)
        return pdc, acc

    _, acc = lax.fori_loop(0, K, step, (pd, jnp.zeros((TN, K), jnp.int32)))
    idx_ref[0] = acc + b * N
    u_ref[0] = jnp.dot(xr, wu_ref[...], preferred_element_type=jnp.float32)
    v_ref[0] = (jnp.dot(xr, wv_ref[...], preferred_element_type=jnp.float32)
                + bv_ref[...])


def _knn(xr, xt, wu, wv, bv, K, TN):
    B, N, C = xr.shape
    return pl.pallas_call(
        functools.partial(_knn_body, K=K, N=N),
        grid=(B, N // TN),
        in_specs=[
            pl.BlockSpec((1, TN, C), lambda b, t: (b, t, 0)),
            pl.BlockSpec((1, C, N), lambda b, t: (b, 0, 0)),
            pl.BlockSpec((C, 128), lambda b, t: (0, 0)),
            pl.BlockSpec((C, 64), lambda b, t: (0, 0)),
            pl.BlockSpec((1, 64), lambda b, t: (0, 0)),
        ],
        out_specs=[
            pl.BlockSpec((1, TN, K), lambda b, t: (b, t, 0)),
            pl.BlockSpec((1, TN, 128), lambda b, t: (b, t, 0)),
            pl.BlockSpec((1, TN, 64), lambda b, t: (b, t, 0)),
        ],
        out_shape=[
            jax.ShapeDtypeStruct((B, N, K), jnp.int32),
            jax.ShapeDtypeStruct((B, N, 128), jnp.float32),
            jax.ShapeDtypeStruct((B, N, 64), jnp.float32),
        ],
    )(xr, xt, wu, wv, bv)


def _make_sc_gather(MK, D, CH):
    info = plsc.get_sparse_core_info()
    NC, NS = info.num_cores, info.num_subcores
    NW = NC * NS
    per_w = MK // NW
    n_ch = per_w // CH
    assert per_w % CH == 0 and MK % NW == 0
    mesh = plsc.VectorSubcoreMesh(core_axis_name="c", subcore_axis_name="s")

    @functools.partial(
        pl.kernel, mesh=mesh,
        out_type=jax.ShapeDtypeStruct((MK, D), jnp.float32),
        scratch_types=[
            pltpu.VMEM((CH,), jnp.int32),
            pltpu.VMEM((CH, D), jnp.float32),
            pltpu.SemaphoreType.DMA,
        ],
    )
    def gk(idx_hbm, table_hbm, out_hbm, idx_v, rows_v, sem):
        wid = lax.axis_index("s") * NC + lax.axis_index("c")
        base0 = wid * per_w

        def body(i, carry):
            base = base0 + i * CH
            pltpu.sync_copy(idx_hbm.at[pl.ds(base, CH)], idx_v)
            pltpu.async_copy(table_hbm.at[idx_v], rows_v, sem).wait()
            pltpu.sync_copy(rows_v, out_hbm.at[pl.ds(base, CH)])
            return carry

        lax.fori_loop(0, n_ch, body, 0)

    return gk


def _edge_body(g_ref, v_ref, w_ref, b_ref, out_ref, *, K):
    v = v_ref[...]
    TNE = v.shape[0]
    g = g_ref[...].reshape(K * TNE, 128)[:, :64]
    h = _leaky(g + jnp.tile(v, (K, 1)))
    y = _leaky(jnp.dot(h, w_ref[...], preferred_element_type=jnp.float32)
               + b_ref[...])
    out_ref[...] = jnp.max(y.reshape(K, TNE, 64), axis=0)


def _edge(g3, v, w, bias, K, TNE):
    M = v.shape[0]
    return pl.pallas_call(
        functools.partial(_edge_body, K=K),
        grid=(M // TNE,),
        in_specs=[
            pl.BlockSpec((K, TNE, 128), lambda t: (0, t, 0)),
            pl.BlockSpec((TNE, 64), lambda t: (t, 0)),
            pl.BlockSpec((64, 64), lambda t: (0, 0)),
            pl.BlockSpec((1, 64), lambda t: (0, 0)),
        ],
        out_specs=pl.BlockSpec((TNE, 64), lambda t: (t, 0)),
        out_shape=jax.ShapeDtypeStruct((M, 64), jnp.float32),
    )(g3, v, w, bias)


def _max3_body(g_ref, v_ref, out_ref, *, K):
    out_ref[...] = _leaky(jnp.max(g_ref[...], axis=0)[:, :64] + v_ref[...])


def _max3(g3, v, K, TNE):
    M = v.shape[0]
    return pl.pallas_call(
        functools.partial(_max3_body, K=K),
        grid=(M // TNE,),
        in_specs=[
            pl.BlockSpec((K, TNE, 128), lambda t: (0, t, 0)),
            pl.BlockSpec((TNE, 64), lambda t: (t, 0)),
        ],
        out_specs=pl.BlockSpec((TNE, 64), lambda t: (t, 0)),
        out_shape=jax.ShapeDtypeStruct((M, 64), jnp.float32),
    )(g3, v)


def _head_body(x1_ref, x2_ref, x3_ref, w6_ref, b6_ref, w7g_ref, w7l_ref,
               b7_ref, w8_ref, b8_ref, w9_ref, out_ref):
    hc = jnp.concatenate([x1_ref[0], x2_ref[0], x3_ref[0]], axis=1)
    h6 = _leaky(jnp.dot(hc, w6_ref[...], preferred_element_type=jnp.float32)
                + b6_ref[...])
    gmax = jnp.max(h6, axis=0, keepdims=True)
    c7 = jnp.dot(gmax, w7g_ref[...], preferred_element_type=jnp.float32)
    h7 = _leaky(jnp.dot(hc, w7l_ref[...], preferred_element_type=jnp.float32)
                + c7 + b7_ref[...])
    h8 = _leaky(jnp.dot(h7, w8_ref[...], preferred_element_type=jnp.float32)
                + b8_ref[...])
    y9 = jnp.dot(h8, w9_ref[...], preferred_element_type=jnp.float32)
    out_ref[0] = 1.0 / (1.0 + jnp.exp(-y9))


def _head(x1, x2, x3, w6, b6, w7g, w7l, b7, w8, b8, w9):
    B, N, _ = x1.shape
    full = lambda shape: pl.BlockSpec(shape, lambda b: tuple(0 for _ in shape))
    return pl.pallas_call(
        _head_body,
        grid=(B,),
        in_specs=[
            pl.BlockSpec((1, N, 64), lambda b: (b, 0, 0)),
            pl.BlockSpec((1, N, 64), lambda b: (b, 0, 0)),
            pl.BlockSpec((1, N, 64), lambda b: (b, 0, 0)),
            full((192, 1024)), full((1, 1024)),
            full((1024, 512)), full((192, 512)), full((1, 512)),
            full((512, 256)), full((1, 256)),
            full((256, 1)),
        ],
        out_specs=pl.BlockSpec((1, N, 1), lambda b: (b, 0, 0)),
        out_shape=jax.ShapeDtypeStruct((B, N, 1), jnp.float32),
    )(x1, x2, x3, w6, b6, w7g, w7l, b7, w8, b8, w9)


def kernel(x, W1, W2, W3, W4, W5, W6, W7, W8, W9,
           g1, g2, g3, g4, g5, g6, g7, g8,
           b1, b2, b3, b4, b5, b6, b7, b8):
    B, C0, N = x.shape
    K = KNN_K
    M = B * N
    sc = 1.0 / jnp.sqrt(jnp.float32(1.0 + 1e-5))

    def split(W, g, C):
        wa, wb = W[:, :C], W[:, C:]
        wu = (wa * (sc * g)[:, None]).T
        wv = ((wb - wa) * (sc * g)[:, None]).T
        return wu, wv

    wu1, wv1 = split(W1, g1, C0)
    wu1 = jnp.pad(wu1, ((0, 8 - C0), (0, 64)))
    wv1 = jnp.pad(wv1, ((0, 8 - C0), (0, 0)))
    wu3, wv3 = split(W3, g3, 64)
    wu5, wv5 = split(W5, g5, 64)
    wu3 = jnp.pad(wu3, ((0, 0), (0, 64)))
    wu5 = jnp.pad(wu5, ((0, 0), (0, 64)))
    w2t = (W2 * (sc * g2)[:, None]).T
    w4t = (W4 * (sc * g4)[:, None]).T
    w6t = (W6 * (sc * g6)[:, None]).T
    w7g = (W7[:, :1024] * (sc * g7)[:, None]).T
    w7l = (W7[:, 1024:] * (sc * g7)[:, None]).T
    w8t = (W8 * (sc * g8)[:, None]).T
    w9t = W9.T
    row = lambda b: b[None, :]

    gather = _make_sc_gather(M * K, 128, 128)
    perm = lambda idx: idx.reshape(M, K).T.reshape(-1)

    xr1 = jnp.pad(jnp.swapaxes(x, 1, 2), ((0, 0), (0, 0), (0, 8 - C0)))
    xt1 = jnp.pad(x, ((0, 0), (0, 8 - C0), (0, 0)))
    idx, u, v = _knn(xr1, xt1, wu1, wv1, row(b1), K, 256)
    g = gather(perm(idx), u.reshape(M, 128)).reshape(K, M, 128)
    x1 = _edge(g, v.reshape(M, 64), w2t, row(b2), K, 256).reshape(B, N, 64)

    idx, u, v = _knn(x1, jnp.swapaxes(x1, 1, 2), wu3, wv3, row(b3), K, 256)
    g = gather(perm(idx), u.reshape(M, 128)).reshape(K, M, 128)
    x2 = _edge(g, v.reshape(M, 64), w4t, row(b4), K, 256).reshape(B, N, 64)

    idx, u, v = _knn(x2, jnp.swapaxes(x2, 1, 2), wu5, wv5, row(b5), K, 256)
    g = gather(perm(idx), u.reshape(M, 128)).reshape(K, M, 128)
    x3 = _max3(g, v.reshape(M, 64), K, 256).reshape(B, N, 64)

    out = _head(x1, x2, x3, w6t, row(b6), w7g, w7l, row(b7),
                w8t, row(b8), w9t)
    return out.reshape(B, N)

# --- scband reference (transcript-rebuilt; emitter-appended) ---
"""Pipeline reference for scband-dgcnn-reg-5686536700341 (READ-ONLY COPY).

The authoritative reference and input builder live on the scoring server;
editing this copy changes nothing except your own understanding.
"""

import jax, jax.numpy as jnp
import numpy as np

EPS = 1e-05
K = 20


def knn(x, k):
    # x: [B, C, N]
    xt = jnp.swapaxes(x, 2, 1)
    inner = -2.0 * jnp.matmul(xt, x)
    xx = jnp.sum(x ** 2, axis=1, keepdims=True)
    pairwise_distance = -xx - inner - jnp.swapaxes(xx, 2, 1)
    _, idx = jax.lax.top_k(pairwise_distance, k)
    return idx  # [B, N, k]


def get_graph_feature(x, k):
    B, C, N = x.shape
    idx = knn(x, k)
    idx_base = jnp.arange(B).reshape(-1, 1, 1) * N
    idxf = (idx + idx_base).reshape(-1)
    xt = jnp.swapaxes(x, 2, 1)  # [B, N, C]
    feature = xt.reshape(B * N, C)[idxf].reshape(B, N, k, C)
    xe = jnp.broadcast_to(xt[:, :, None, :], (B, N, k, C))
    feature = jnp.concatenate([feature - xe, xe], axis=3)
    return jnp.transpose(feature, (0, 3, 1, 2))  # [B, 2C, N, k]


def bn_lrelu(y, g, b):
    scale = 1.0 / jnp.sqrt(1.0 + EPS)
    if y.ndim == 4:
        g = g.reshape(1, -1, 1, 1)
        b = b.reshape(1, -1, 1, 1)
    else:
        g = g.reshape(1, -1, 1)
        b = b.reshape(1, -1, 1)
    return jax.nn.leaky_relu(y * scale * g + b, negative_slope=0.2)


def conv2(W, x):
    return jnp.einsum('oc,bcnk->bonk', W, x)


def conv1(W, x):
    return jnp.einsum('oc,bcn->bon', W, x)


def setup_inputs(seed: int = 0):
    key = jax.random.key(seed)
    ks = jax.random.split(key, 16)
    x = jax.random.normal(ks[0], (8, 2, 2048), dtype=jnp.float32)
    w = lambda k, shape: jax.random.normal(k, shape, dtype=jnp.float32) * 0.1
    W1 = w(ks[1], (64, 4))
    W2 = w(ks[2], (64, 64))
    W3 = w(ks[3], (64, 128))
    W4 = w(ks[4], (64, 64))
    W5 = w(ks[5], (64, 128))
    W6 = w(ks[6], (1024, 192))
    W7 = w(ks[7], (512, 1216))
    W8 = w(ks[8], (256, 512))
    W9 = w(ks[9], (1, 256))
    g1 = jnp.ones((64,), jnp.float32); b1 = jnp.zeros((64,), jnp.float32)
    g2 = jnp.ones((64,), jnp.float32); b2 = jnp.zeros((64,), jnp.float32)
    g3 = jnp.ones((64,), jnp.float32); b3 = jnp.zeros((64,), jnp.float32)
    g4 = jnp.ones((64,), jnp.float32); b4 = jnp.zeros((64,), jnp.float32)
    g5 = jnp.ones((64,), jnp.float32); b5 = jnp.zeros((64,), jnp.float32)
    g6 = jnp.ones((1024,), jnp.float32); b6 = jnp.zeros((1024,), jnp.float32)
    g7 = jnp.ones((512,), jnp.float32); b7 = jnp.zeros((512,), jnp.float32)
    g8 = jnp.ones((256,), jnp.float32); b8 = jnp.zeros((256,), jnp.float32)
    return {'x': x, 'W1': W1, 'W2': W2, 'W3': W3, 'W4': W4, 'W5': W5, 'W6': W6, 'W7': W7, 'W8': W8, 'W9': W9,
            'g1': g1, 'g2': g2, 'g3': g3, 'g4': g4, 'g5': g5, 'g6': g6, 'g7': g7, 'g8': g8,
            'b1': b1, 'b2': b2, 'b3': b3, 'b4': b4, 'b5': b5, 'b6': b6, 'b7': b7, 'b8': b8}


def reference(x, W1, W2, W3, W4, W5, W6, W7, W8, W9,
              g1, g2, g3, g4, g5, g6, g7, g8,
              b1, b2, b3, b4, b5, b6, b7, b8):
    B, _, N = x.shape
    x0 = get_graph_feature(x, K)                     # [B, 4, N, k]
    h = bn_lrelu(conv2(W1, x0), g1, b1)
    h = bn_lrelu(conv2(W2, h), g2, b2)
    x1 = jnp.max(h, axis=-1)                         # [B, 64, N]
    h = get_graph_feature(x1, K)                     # [B, 128, N, k]
    h = bn_lrelu(conv2(W3, h), g3, b3)
    h = bn_lrelu(conv2(W4, h), g4, b4)
    x2 = jnp.max(h, axis=-1)
    h = get_graph_feature(x2, K)
    h = bn_lrelu(conv2(W5, h), g5, b5)
    x3 = jnp.max(h, axis=-1)
    hc = jnp.concatenate([x1, x2, x3], axis=1)       # [B, 192, N]
    h = bn_lrelu(conv1(W6, hc), g6, b6)              # [B, 1024, N]
    h = jnp.max(h, axis=-1, keepdims=True)
    h = jnp.broadcast_to(h, (B, h.shape[1], N))
    h = jnp.concatenate([h, x1, x2, x3], axis=1)     # [B, 1216, N]
    h = bn_lrelu(conv1(W7, h), g7, b7)
    h = bn_lrelu(conv1(W8, h), g8, b8)
    # dropout is identity in eval mode
    h = conv1(W9, h)                                 # [B, 1, N]
    return jax.nn.sigmoid(h.reshape(B, -1))

if __name__ == "__main__":
    import jax
    _d = setup_inputs()
    print(jax.jit(kernel)(*tuple(_d.values())))

</pallas_src>

<mosaic_0001>
#map = affine_map<(d0, d1) -> (0)>
#map1 = affine_map<(d0, d1) -> (0, 0)>
module attributes {stable_mosaic.version = 14 : i64} {
  func.func @gk(%arg0: i32, %arg1: i32, %arg2: memref<327680xi32, #tpu.memory_space<hbm>>, %arg3: memref<16384x128xf32, #tpu.memory_space<hbm>>, %arg4: memref<327680x128xf32, #tpu.memory_space<hbm>>, %arg5: memref<128xi32, #tpu.memory_space<vmem>>, %arg6: memref<128x128xf32, #tpu.memory_space<vmem>>, %arg7: memref<!tpu.dma_semaphore, #tpu.memory_space<semaphore_mem>>) attributes {dimension_semantics = [#tpu.dimension_semantics<core_parallel>, #tpu.dimension_semantics<subcore_parallel>], iteration_bounds = array<i64: 2, 16>, scalar_prefetch = 0 : i64, scratch_operands = 3 : i64, tpu.core_type = #tpu.core_type<sc_vector_subcore>, window_params = [{transform_indices = #map}, {transform_indices = #map1}, {transform_indices = #map1}]} {
    %mul3A = arith.constant 2 : i32
    %mul3A_0 = arith.muli %arg1, %mul3A : i32
    %add3A = arith.addi %mul3A_0, %arg0 : i32
    %mul3A_1 = arith.constant 10240 : i32
    %mul3A_2 = arith.muli %add3A, %mul3A_1 : i32
    %scan3A = arith.constant 0 : i32
    %scan3A_3 = arith.constant 0 : i32
    %scan3A_4 = arith.constant 80 : i32
    %scan3A_5 = arith.addi %scan3A_3, %scan3A_4 : i32
    %scan3A_6 = arith.constant 1 : i32
    scf.for %scan3A_8 = %scan3A_3 to %scan3A_5 step %scan3A_6  : i32 {
      %mul3A_9 = arith.constant 128 : i32
      %mul3A_10 = arith.muli %scan3A_8, %mul3A_9 : i32
      %add3A_11 = arith.addi %mul3A_2, %mul3A_10 : i32
      "tpu.region"() ({
        %run_scoped3A = tpu.sem_alloc : memref<!tpu.dma_semaphore, #tpu.memory_space<semaphore_mem>>
        %dma_start3A_16 = tpu.memref_slice %arg2[%add3A_11] : memref<327680xi32, #tpu.memory_space<hbm>> -> memref<128xi32, #tpu.memory_space<hbm>>
        %dma_start3A_17 = tpu.memref_slice %arg2[%add3A_11] : memref<327680xi32, #tpu.memory_space<hbm>> -> memref<128xi32, #tpu.memory_space<hbm>>
        tpu.enqueue_dma source(%dma_start3A_17 : memref<128xi32, #tpu.memory_space<hbm>>) target(%arg5 : memref<128xi32, #tpu.memory_space<vmem>>) target_semaphore(%run_scoped3A : memref<!tpu.dma_semaphore, #tpu.memory_space<semaphore_mem>>)
        %dma_wait3A_18 = tpu.memref_slice %arg2[%add3A_11] : memref<327680xi32, #tpu.memory_space<hbm>> -> memref<128xi32, #tpu.memory_space<hbm>>
        %dma_wait3A_19 = tpu.memref_slice %arg2[%add3A_11] : memref<327680xi32, #tpu.memory_space<hbm>> -> memref<128xi32, #tpu.memory_space<hbm>>
        tpu.wait_dma2 semaphore(%run_scoped3A : memref<!tpu.dma_semaphore, #tpu.memory_space<semaphore_mem>>) src(%dma_wait3A_19 : memref<128xi32, #tpu.memory_space<hbm>>) dst(%arg5 : memref<128xi32, #tpu.memory_space<vmem>>)
        tpu.yield
      }) : () -> ()
      %dma_start3A = arith.constant 0 : i32
      %dma_start3A_12 = arith.constant 0 : i32
      %dma_start3A_13 = tpu.memref_slice %arg3[%dma_start3A, %dma_start3A_12] : memref<16384x128xf32, #tpu.memory_space<hbm>> -> memref<16384x128xf32, #tpu.memory_space<hbm>>
      tpu.enqueue_indirect_dma source(%dma_start3A_13 : memref<16384x128xf32, #tpu.memory_space<hbm>>) target(%arg6 : memref<128x128xf32, #tpu.memory_space<vmem>>) offsets(%arg5 : memref<128xi32, #tpu.memory_space<vmem>>) semaphore(%arg7 : memref<!tpu.dma_semaphore, #tpu.memory_space<semaphore_mem>>)
      %dma_wait3A = arith.constant 0 : i32
      %dma_wait3A_14 = arith.constant 0 : i32
      %dma_wait3A_15 = tpu.memref_slice %arg3[%dma_wait3A, %dma_wait3A_14] : memref<16384x128xf32, #tpu.memory_space<hbm>> -> memref<16384x128xf32, #tpu.memory_space<hbm>>
      tpu.wait_indirect_dma semaphore(%arg7 : memref<!tpu.dma_semaphore, #tpu.memory_space<semaphore_mem>>) src(%dma_wait3A_15 : memref<16384x128xf32, #tpu.memory_space<hbm>>) dst(%arg6 : memref<128x128xf32, #tpu.memory_space<vmem>>)
      "tpu.region"() ({
        %run_scoped3A = tpu.sem_alloc : memref<!tpu.dma_semaphore, #tpu.memory_space<semaphore_mem>>
        %dma_start3A_16 = arith.constant 0 : i32
        %dma_start3A_17 = tpu.memref_slice %arg4[%add3A_11, %dma_start3A_16] : memref<327680x128xf32, #tpu.memory_space<hbm>> -> memref<128x128xf32, #tpu.memory_space<hbm>>
        %dma_start3A_18 = arith.constant 0 : i32
        %dma_start3A_19 = tpu.memref_slice %arg4[%add3A_11, %dma_start3A_18] : memref<327680x128xf32, #tpu.memory_space<hbm>> -> memref<128x128xf32, #tpu.memory_space<hbm>>
        tpu.enqueue_dma source(%arg6 : memref<128x128xf32, #tpu.memory_space<vmem>>) target(%dma_start3A_19 : memref<128x128xf32, #tpu.memory_space<hbm>>) target_semaphore(%run_scoped3A : memref<!tpu.dma_semaphore, #tpu.memory_space<semaphore_mem>>)
        %dma_wait3A_20 = arith.constant 0 : i32
        %dma_wait3A_21 = tpu.memref_slice %arg4[%add3A_11, %dma_wait3A_20] : memref<327680x128xf32, #tpu.memory_space<hbm>> -> memref<128x128xf32, #tpu.memory_space<hbm>>
        %dma_wait3A_22 = arith.constant 0 : i32
        %dma_wait3A_23 = tpu.memref_slice %arg4[%add3A_11, %dma_wait3A_22] : memref<327680x128xf32, #tpu.memory_space<hbm>> -> memref<128x128xf32, #tpu.memory_space<hbm>>
        tpu.wait_dma2 semaphore(%run_scoped3A : memref<!tpu.dma_semaphore, #tpu.memory_space<semaphore_mem>>) src(%arg6 : memref<128x128xf32, #tpu.memory_space<vmem>>) dst(%dma_wait3A_23 : memref<128x128xf32, #tpu.memory_space<hbm>>)
        tpu.yield
      }) : () -> ()
    }
    %scan3A_7 = arith.constant 80 : i32
    return
  }
}

#map = affine_map<(d0, d1) -> (0)>
#map1 = affine_map<(d0, d1) -> (0, 0)>
module attributes {stable_mosaic.version = 14 : i64} {
  func.func @gk(%arg0: i32, %arg1: i32, %arg2: memref<327680xi32, #tpu.memory_space<hbm>>, %arg3: memref<16384x128xf32, #tpu.memory_space<hbm>>, %arg4: memref<327680x128xf32, #tpu.memory_space<hbm>>, %arg5: memref<128xi32, #tpu.memory_space<vmem>>, %arg6: memref<128x128xf32, #tpu.memory_space<vmem>>, %arg7: memref<!tpu.dma_semaphore, #tpu.memory_space<semaphore_mem>>) attributes {dimension_semantics = [#tpu.dimension_semantics<core_parallel>, #tpu.dimension_semantics<subcore_parallel>], iteration_bounds = array<i64: 2, 16>, scalar_prefetch = 0 : i64, scratch_operands = 3 : i64, tpu.core_type = #tpu.core_type<sc_vector_subcore>, window_params = [{transform_indices = #map}, {transform_indices = #map1}, {transform_indices = #map1}]} {
    %mul3A = arith.constant 2 : i32
    %mul3A_0 = arith.muli %arg1, %mul3A : i32
    %add3A = arith.addi %mul3A_0, %arg0 : i32
    %mul3A_1 = arith.constant 10240 : i32
    %mul3A_2 = arith.muli %add3A, %mul3A_1 : i32
    %scan3A = arith.constant 0 : i32
    %scan3A_3 = arith.constant 0 : i32
    %scan3A_4 = arith.constant 80 : i32
    %scan3A_5 = arith.addi %scan3A_3, %scan3A_4 : i32
    %scan3A_6 = arith.constant 1 : i32
    scf.for %scan3A_8 = %scan3A_3 to %scan3A_5 step %scan3A_6  : i32 {
      %mul3A_9 = arith.constant 128 : i32
      %mul3A_10 = arith.muli %scan3A_8, %mul3A_9 : i32
      %add3A_11 = arith.addi %mul3A_2, %mul3A_10 : i32
      "tpu.region"() ({
        %run_scoped3A = tpu.sem_alloc : memref<!tpu.dma_semaphore, #tpu.memory_space<semaphore_mem>>
        %dma_start3A_16 = tpu.memref_slice %arg2[%add3A_11] : memref<327680xi32, #tpu.memory_space<hbm>> -> memref<128xi32, #tpu.memory_space<hbm>>
        %dma_start3A_17 = tpu.memref_slice %arg2[%add3A_11] : memref<327680xi32, #tpu.memory_space<hbm>> -> memref<128xi32, #tpu.memory_space<hbm>>
        tpu.enqueue_dma source(%dma_start3A_17 : memref<128xi32, #tpu.memory_space<hbm>>) target(%arg5 : memref<128xi32, #tpu.memory_space<vmem>>) target_semaphore(%run_scoped3A : memref<!tpu.dma_semaphore, #tpu.memory_space<semaphore_mem>>)
        %dma_wait3A_18 = tpu.memref_slice %arg2[%add3A_11] : memref<327680xi32, #tpu.memory_space<hbm>> -> memref<128xi32, #tpu.memory_space<hbm>>
        %dma_wait3A_19 = tpu.memref_slice %arg2[%add3A_11] : memref<327680xi32, #tpu.memory_space<hbm>> -> memref<128xi32, #tpu.memory_space<hbm>>
        tpu.wait_dma2 semaphore(%run_scoped3A : memref<!tpu.dma_semaphore, #tpu.memory_space<semaphore_mem>>) src(%dma_wait3A_19 : memref<128xi32, #tpu.memory_space<hbm>>) dst(%arg5 : memref<128xi32, #tpu.memory_space<vmem>>)
        tpu.yield
      }) : () -> ()
      %dma_start3A = arith.constant 0 : i32
      %dma_start3A_12 = arith.constant 0 : i32
      %dma_start3A_13 = tpu.memref_slice %arg3[%dma_start3A, %dma_start3A_12] : memref<16384x128xf32, #tpu.memory_space<hbm>> -> memref<16384x128xf32, #tpu.memory_space<hbm>>
      tpu.enqueue_indirect_dma source(%dma_start3A_13 : memref<16384x128xf32, #tpu.memory_space<hbm>>) target(%arg6 : memref<128x128xf32, #tpu.memory_space<vmem>>) offsets(%arg5 : memref<128xi32, #tpu.memory_space<vmem>>) semaphore(%arg7 : memref<!tpu.dma_semaphore, #tpu.memory_space<semaphore_mem>>)
      %dma_wait3A = arith.constant 0 : i32
      %dma_wait3A_14 = arith.constant 0 : i32
      %dma_wait3A_15 = tpu.memref_slice %arg3[%dma_wait3A, %dma_wait3A_14] : memref<16384x128xf32, #tpu.memory_space<hbm>> -> memref<16384x128xf32, #tpu.memory_space<hbm>>
      tpu.wait_indirect_dma semaphore(%arg7 : memref<!tpu.dma_semaphore, #tpu.memory_space<semaphore_mem>>) src(%dma_wait3A_15 : memref<16384x128xf32, #tpu.memory_space<hbm>>) dst(%arg6 : memref<128x128xf32, #tpu.memory_space<vmem>>)
      "tpu.region"() ({
        %run_scoped3A = tpu.sem_alloc : memref<!tpu.dma_semaphore, #tpu.memory_space<semaphore_mem>>
        %dma_start3A_16 = arith.constant 0 : i32
        %dma_start3A_17 = tpu.memref_slice %arg4[%add3A_11, %dma_start3A_16] : memref<327680x128xf32, #tpu.memory_space<hbm>> -> memref<128x128xf32, #tpu.memory_space<hbm>>
        %dma_start3A_18 = arith.constant 0 : i32
        %dma_start3A_19 = tpu.memref_slice %arg4[%add3A_11, %dma_start3A_18] : memref<327680x128xf32, #tpu.memory_space<hbm>> -> memref<128x128xf32, #tpu.memory_space<hbm>>
        tpu.enqueue_dma source(%arg6 : memref<128x128xf32, #tpu.memory_space<vmem>>) target(%dma_start3A_19 : memref<128x128xf32, #tpu.memory_space<hbm>>) target_semaphore(%run_scoped3A : memref<!tpu.dma_semaphore, #tpu.memory_space<semaphore_mem>>)
        %dma_wait3A_20 = arith.constant 0 : i32
        %dma_wait3A_21 = tpu.memref_slice %arg4[%add3A_11, %dma_wait3A_20] : memref<327680x128xf32, #tpu.memory_space<hbm>> -> memref<128x128xf32, #tpu.memory_space<hbm>>
        %dma_wait3A_22 = arith.constant 0 : i32
        %dma_wait3A_23 = tpu.memref_slice %arg4[%add3A_11, %dma_wait3A_22] : memref<327680x128xf32, #tpu.memory_space<hbm>> -> memref<128x128xf32, #tpu.memory_space<hbm>>
        tpu.wait_dma2 semaphore(%run_scoped3A : memref<!tpu.dma_semaphore, #tpu.memory_space<semaphore_mem>>) src(%arg6 : memref<128x128xf32, #tpu.memory_space<vmem>>) dst(%dma_wait3A_23 : memref<128x128xf32, #tpu.memory_space<hbm>>)
        tpu.yield
      }) : () -> ()
    }
    %scan3A_7 = arith.constant 80 : i32
    return
  }
}

#map = affine_map<(d0, d1) -> (0)>
#map1 = affine_map<(d0, d1) -> (0, 0)>
module attributes {stable_mosaic.version = 14 : i64} {
  func.func @gk(%arg0: i32, %arg1: i32, %arg2: memref<327680xi32, #tpu.memory_space<hbm>>, %arg3: memref<16384x128xf32, #tpu.memory_space<hbm>>, %arg4: memref<327680x128xf32, #tpu.memory_space<hbm>>, %arg5: memref<128xi32, #tpu.memory_space<vmem>>, %arg6: memref<128x128xf32, #tpu.memory_space<vmem>>, %arg7: memref<!tpu.dma_semaphore, #tpu.memory_space<semaphore_mem>>) attributes {dimension_semantics = [#tpu.dimension_semantics<core_parallel>, #tpu.dimension_semantics<subcore_parallel>], iteration_bounds = array<i64: 2, 16>, scalar_prefetch = 0 : i64, scratch_operands = 3 : i64, tpu.core_type = #tpu.core_type<sc_vector_subcore>, window_params = [{transform_indices = #map}, {transform_indices = #map1}, {transform_indices = #map1}]} {
    %mul3A = arith.constant 2 : i32
    %mul3A_0 = arith.muli %arg1, %mul3A : i32
    %add3A = arith.addi %mul3A_0, %arg0 : i32
    %mul3A_1 = arith.constant 10240 : i32
    %mul3A_2 = arith.muli %add3A, %mul3A_1 : i32
    %scan3A = arith.constant 0 : i32
    %scan3A_3 = arith.constant 0 : i32
    %scan3A_4 = arith.constant 80 : i32
    %scan3A_5 = arith.addi %scan3A_3, %scan3A_4 : i32
    %scan3A_6 = arith.constant 1 : i32
    scf.for %scan3A_8 = %scan3A_3 to %scan3A_5 step %scan3A_6  : i32 {
      %mul3A_9 = arith.constant 128 : i32
      %mul3A_10 = arith.muli %scan3A_8, %mul3A_9 : i32
      %add3A_11 = arith.addi %mul3A_2, %mul3A_10 : i32
      "tpu.region"() ({
        %run_scoped3A = tpu.sem_alloc : memref<!tpu.dma_semaphore, #tpu.memory_space<semaphore_mem>>
        %dma_start3A_16 = tpu.memref_slice %arg2[%add3A_11] : memref<327680xi32, #tpu.memory_space<hbm>> -> memref<128xi32, #tpu.memory_space<hbm>>
        %dma_start3A_17 = tpu.memref_slice %arg2[%add3A_11] : memref<327680xi32, #tpu.memory_space<hbm>> -> memref<128xi32, #tpu.memory_space<hbm>>
        tpu.enqueue_dma source(%dma_start3A_17 : memref<128xi32, #tpu.memory_space<hbm>>) target(%arg5 : memref<128xi32, #tpu.memory_space<vmem>>) target_semaphore(%run_scoped3A : memref<!tpu.dma_semaphore, #tpu.memory_space<semaphore_mem>>)
        %dma_wait3A_18 = tpu.memref_slice %arg2[%add3A_11] : memref<327680xi32, #tpu.memory_space<hbm>> -> memref<128xi32, #tpu.memory_space<hbm>>
        %dma_wait3A_19 = tpu.memref_slice %arg2[%add3A_11] : memref<327680xi32, #tpu.memory_space<hbm>> -> memref<128xi32, #tpu.memory_space<hbm>>
        tpu.wait_dma2 semaphore(%run_scoped3A : memref<!tpu.dma_semaphore, #tpu.memory_space<semaphore_mem>>) src(%dma_wait3A_19 : memref<128xi32, #tpu.memory_space<hbm>>) dst(%arg5 : memref<128xi32, #tpu.memory_space<vmem>>)
        tpu.yield
      }) : () -> ()
      %dma_start3A = arith.constant 0 : i32
      %dma_start3A_12 = arith.constant 0 : i32
      %dma_start3A_13 = tpu.memref_slice %arg3[%dma_start3A, %dma_start3A_12] : memref<16384x128xf32, #tpu.memory_space<hbm>> -> memref<16384x128xf32, #tpu.memory_space<hbm>>
      tpu.enqueue_indirect_dma source(%dma_start3A_13 : memref<16384x128xf32, #tpu.memory_space<hbm>>) target(%arg6 : memref<128x128xf32, #tpu.memory_space<vmem>>) offsets(%arg5 : memref<128xi32, #tpu.memory_space<vmem>>) semaphore(%arg7 : memref<!tpu.dma_semaphore, #tpu.memory_space<semaphore_mem>>)
      %dma_wait3A = arith.constant 0 : i32
      %dma_wait3A_14 = arith.constant 0 : i32
      %dma_wait3A_15 = tpu.memref_slice %arg3[%dma_wait3A, %dma_wait3A_14] : memref<16384x128xf32, #tpu.memory_space<hbm>> -> memref<16384x128xf32, #tpu.memory_space<hbm>>
      tpu.wait_indirect_dma semaphore(%arg7 : memref<!tpu.dma_semaphore, #tpu.memory_space<semaphore_mem>>) src(%dma_wait3A_15 : memref<16384x128xf32, #tpu.memory_space<hbm>>) dst(%arg6 : memref<128x128xf32, #tpu.memory_space<vmem>>)
      "tpu.region"() ({
        %run_scoped3A = tpu.sem_alloc : memref<!tpu.dma_semaphore, #tpu.memory_space<semaphore_mem>>
        %dma_start3A_16 = arith.constant 0 : i32
        %dma_start3A_17 = tpu.memref_slice %arg4[%add3A_11, %dma_start3A_16] : memref<327680x128xf32, #tpu.memory_space<hbm>> -> memref<128x128xf32, #tpu.memory_space<hbm>>
        %dma_start3A_18 = arith.constant 0 : i32
        %dma_start3A_19 = tpu.memref_slice %arg4[%add3A_11, %dma_start3A_18] : memref<327680x128xf32, #tpu.memory_space<hbm>> -> memref<128x128xf32, #tpu.memory_space<hbm>>
        tpu.enqueue_dma source(%arg6 : memref<128x128xf32, #tpu.memory_space<vmem>>) target(%dma_start3A_19 : memref<128x128xf32, #tpu.memory_space<hbm>>) target_semaphore(%run_scoped3A : memref<!tpu.dma_semaphore, #tpu.memory_space<semaphore_mem>>)
        %dma_wait3A_20 = arith.constant 0 : i32
        %dma_wait3A_21 = tpu.memref_slice %arg4[%add3A_11, %dma_wait3A_20] : memref<327680x128xf32, #tpu.memory_space<hbm>> -> memref<128x128xf32, #tpu.memory_space<hbm>>
        %dma_wait3A_22 = arith.constant 0 : i32
        %dma_wait3A_23 = tpu.memref_slice %arg4[%add3A_11, %dma_wait3A_22] : memref<327680x128xf32, #tpu.memory_space<hbm>> -> memref<128x128xf32, #tpu.memory_space<hbm>>
        tpu.wait_dma2 semaphore(%run_scoped3A : memref<!tpu.dma_semaphore, #tpu.memory_space<semaphore_mem>>) src(%arg6 : memref<128x128xf32, #tpu.memory_space<vmem>>) dst(%dma_wait3A_23 : memref<128x128xf32, #tpu.memory_space<hbm>>)
        tpu.yield
      }) : () -> ()
    }
    %scan3A_7 = arith.constant 80 : i32
    return
  }
}

module attributes {stable_mosaic.version = 14 : i64} {
  func.func @_knn_body(%arg0: i32, %arg1: i32, %arg2: memref<1x256x8xf32, #tpu.memory_space<vmem>>, %arg3: memref<1x8x2048xf32, #tpu.memory_space<vmem>>, %arg4: memref<8x128xf32, #tpu.memory_space<vmem>>, %arg5: memref<8x64xf32, #tpu.memory_space<vmem>>, %arg6: memref<1x64xf32, #tpu.memory_space<vmem>>, %arg7: memref<1x256x20xi32, #tpu.memory_space<vmem>>, %arg8: memref<1x256x128xf32, #tpu.memory_space<vmem>>, %arg9: memref<1x256x64xf32, #tpu.memory_space<vmem>>) attributes {dimension_semantics = [#tpu.dimension_semantics<arbitrary>, #tpu.dimension_semantics<arbitrary>], iteration_bounds = array<i64: 8, 8>, scalar_prefetch = 0 : i64, scratch_operands = 0 : i64, tpu.core_type = #tpu.core_type<tc>, window_params = [{transform_indices = @transform_0, window_bounds = array<i64: 1, 256, 8>}, {transform_indices = @transform_1, window_bounds = array<i64: 1, 8, 2048>}, {pipeline_mode = #tpu.pipeline_mode<synchronous>, transform_indices = @transform_2, window_bounds = array<i64: 8, 128>}, {pipeline_mode = #tpu.pipeline_mode<synchronous>, transform_indices = @transform_3, window_bounds = array<i64: 8, 64>}, {pipeline_mode = #tpu.pipeline_mode<synchronous>, transform_indices = @transform_4, window_bounds = array<i64: 1, 64>}, {transform_indices = @transform_5, window_bounds = array<i64: 1, 256, 20>}, {transform_indices = @transform_6, window_bounds = array<i64: 1, 256, 128>}, {transform_indices = @transform_7, window_bounds = array<i64: 1, 256, 64>}]} {
    %get3A = arith.constant 0 : index
    %get3A_0 = arith.constant 0 : index
    %get3A_1 = arith.constant 0 : index
    %get3A_2 = vector.load %arg2[%get3A, %get3A_0, %get3A_1] : memref<1x256x8xf32, #tpu.memory_space<vmem>>, vector<1x256x8xf32>
    %get3A_3 = vector.shape_cast %get3A_2 : vector<1x256x8xf32> to vector<256x8xf32>
    %get3A_4 = arith.constant 0 : index
    %get3A_5 = arith.constant 0 : index
    %get3A_6 = arith.constant 0 : index
    %get3A_7 = vector.load %arg3[%get3A_4, %get3A_5, %get3A_6] : memref<1x8x2048xf32, #tpu.memory_space<vmem>>, vector<1x8x2048xf32>
    %get3A_8 = vector.shape_cast %get3A_7 : vector<1x8x2048xf32> to vector<8x2048xf32>
    %dot_general3A = arith.constant dense<0.000000e+00> : vector<256x2048xf32>
    %dot_general3A_9 = tpu.matmul %get3A_3, %get3A_8, %dot_general3A {dimension_numbers = #tpu.dot_dimension_numbers<[1], [0], [0], [1], [0, 0, 1, 1], [], []>, transpose_lhs_hint = false} : vector<256x8xf32>, vector<8x2048xf32>, vector<256x2048xf32> -> vector<256x2048xf32>
    %mul3A = arith.mulf %get3A_3, %get3A_3 : vector<256x8xf32>
    %reduce_sum3A = arith.constant dense<0.000000e+00> : vector<256xf32>
    %reduce_sum3A_10 = vector.multi_reduction <add>, %mul3A, %reduce_sum3A [1] : vector<256x8xf32> to vector<256xf32>
    %broadcast_in_dim3A = vector.shape_cast %reduce_sum3A_10 : vector<256xf32> to vector<256x1xf32>
    %mul3A_11 = arith.mulf %get3A_8, %get3A_8 : vector<8x2048xf32>
    %reduce_sum3A_12 = arith.constant dense<0.000000e+00> : vector<2048xf32>
    %reduce_sum3A_13 = vector.multi_reduction <add>, %mul3A_11, %reduce_sum3A_12 [0] : vector<8x2048xf32> to vector<2048xf32>
    %broadcast_in_dim3A_14 = vector.shape_cast %reduce_sum3A_13 : vector<2048xf32> to vector<1x2048xf32>
    %mul3A_15 = arith.constant 2.000000e+00 : f32
    %mul3A_16 = vector.broadcast %mul3A_15 : f32 to vector<256x2048xf32>
    %mul3A_17 = arith.mulf %mul3A_16, %dot_general3A_9 : vector<256x2048xf32>
    %sub3A = vector.broadcast %broadcast_in_dim3A : vector<256x1xf32> to vector<256x2048xf32>
    %sub3A_18 = arith.subf %mul3A_17, %sub3A : vector<256x2048xf32>
    %sub3A_19 = vector.broadcast %broadcast_in_dim3A_14 : vector<1x2048xf32> to vector<256x2048xf32>
    %sub3A_20 = arith.subf %sub3A_18, %sub3A_19 : vector<256x2048xf32>
    %iota3A = tpu.iota {dimensions = array<i32: 1>} : vector<256x2048xi32>
    %iota3A_21 = tpu.iota {dimensions = array<i32: 1>} : vector<256x20xi32>
    %broadcast_in_dim3A_22 = arith.constant 0 : i32
    %broadcast_in_dim3A_23 = vector.broadcast %broadcast_in_dim3A_22 : i32 to vector<256x20xi32>
    %scan3A = arith.constant 0 : i32
    %scan3A_24 = arith.constant 20 : i32
    %scan3A_25 = arith.addi %scan3A, %scan3A_24 : i32
    %scan3A_26 = arith.constant 1 : i32
    %scan3A_27:2 = scf.for %scan3A_64 = %scan3A to %scan3A_25 step %scan3A_26 iter_args(%scan3A_65 = %sub3A_20, %scan3A_66 = %broadcast_in_dim3A_23) -> (vector<256x2048xf32>, vector<256x20xi32>)  : i32 {
      %reduce_max3A = arith.constant dense<0xFF800000> : vector<256xf32>
      %reduce_max3A_67 = vector.multi_reduction <maximumf>, %scan3A_65, %reduce_max3A [1] : vector<256x2048xf32> to vector<256xf32>
      %broadcast_in_dim3A_68 = vector.shape_cast %reduce_max3A_67 : vector<256xf32> to vector<256x1xf32>
      %eq3A = vector.broadcast %broadcast_in_dim3A_68 : vector<256x1xf32> to vector<256x2048xf32>
      %eq3A_69 = arith.cmpf oeq, %scan3A_65, %eq3A : vector<256x2048xf32>
      %jit3A = arith.constant 2048 : i32
      %broadcast_in_dim3A_70 = vector.broadcast %jit3A : i32 to vector<256x2048xi32>
      %select_n3A = arith.select %eq3A_69, %iota3A, %broadcast_in_dim3A_70 : vector<256x2048xi1>, vector<256x2048xi32>
      %reduce_min3A = arith.constant dense<2147483647> : vector<256xi32>
      %reduce_min3A_71 = vector.multi_reduction <minsi>, %select_n3A, %reduce_min3A [1] : vector<256x2048xi32> to vector<256xi32>
      %broadcast_in_dim3A_72 = vector.shape_cast %reduce_min3A_71 : vector<256xi32> to vector<256x1xi32>
      %eq3A_73 = vector.broadcast %scan3A_64 : i32 to vector<256x20xi32>
      %eq3A_74 = arith.cmpi eq, %iota3A_21, %eq3A_73 : vector<256x20xi32>
      %broadcast_in_dim3A_75 = vector.shape_cast %broadcast_in_dim3A_72 : vector<256x1xi32> to vector<256x1xi32>
      %broadcast_in_dim3A_76 = vector.broadcast %broadcast_in_dim3A_75 : vector<256x1xi32> to vector<256x20xi32>
      %select_n3A_77 = arith.select %eq3A_74, %broadcast_in_dim3A_76, %scan3A_66 : vector<256x20xi1>, vector<256x20xi32>
      %eq3A_78 = vector.broadcast %broadcast_in_dim3A_72 : vector<256x1xi32> to vector<256x2048xi32>
      %eq3A_79 = arith.cmpi eq, %iota3A, %eq3A_78 : vector<256x2048xi32>
      %jit3A_80 = arith.constant 0xFF800000 : f32
      %broadcast_in_dim3A_81 = vector.broadcast %jit3A_80 : f32 to vector<256x2048xf32>
      %select_n3A_82 = arith.select %eq3A_79, %broadcast_in_dim3A_81, %scan3A_65 : vector<256x2048xi1>, vector<256x2048xf32>
      scf.yield %select_n3A_82, %select_n3A_77 : vector<256x2048xf32>, vector<256x20xi32>
    }
    %scan3A_28 = arith.constant 20 : i32
    %mul3A_29 = arith.constant 2048 : i32
    %mul3A_30 = arith.muli %arg0, %mul3A_29 : i32
    %add3A = vector.broadcast %mul3A_30 : i32 to vector<256x20xi32>
    %add3A_31 = arith.addi %scan3A_27#1, %add3A : vector<256x20xi32>
    %swap3A = arith.constant 0 : index
    %swap3A_32 = arith.constant 0 : index
    %swap3A_33 = arith.constant 0 : index
    %swap3A_34 = vector.load %arg7[%swap3A, %swap3A_32, %swap3A_33] : memref<1x256x20xi32, #tpu.memory_space<vmem>>, vector<1x256x20xi32>
    %swap3A_35 = vector.shape_cast %swap3A_34 : vector<1x256x20xi32> to vector<256x20xi32>
    %swap3A_36 = vector.shape_cast %add3A_31 : vector<256x20xi32> to vector<1x256x20xi32>
    tpu.vector_store %arg7[%swap3A, %swap3A_32, %swap3A_33], %swap3A_36 {strides = array<i32>} : memref<1x256x20xi32, #tpu.memory_space<vmem>>, vector<1x256x20xi32>,
    %get3A_37 = arith.constant 0 : index
    %get3A_38 = arith.constant 0 : index
    %get3A_39 = vector.load %arg4[%get3A_37, %get3A_38] : memref<8x128xf32, #tpu.memory_space<vmem>>, vector<8x128xf32>
    %dot_general3A_40 = arith.constant dense<0.000000e+00> : vector<256x128xf32>
    %dot_general3A_41 = tpu.matmul %get3A_3, %get3A_39, %dot_general3A_40 {dimension_numbers = #tpu.dot_dimension_numbers<[1], [0], [0], [1], [0, 0, 1, 1], [], []>, transpose_lhs_hint = false} : vector<256x8xf32>, vector<8x128xf32>, vector<256x128xf32> -> vector<256x128xf32>
    %swap3A_42 = arith.constant 0 : index
    %swap3A_43 = arith.constant 0 : index
    %swap3A_44 = arith.constant 0 : index
    %swap3A_45 = vector.load %arg8[%swap3A_42, %swap3A_43, %swap3A_44] : memref<1x256x128xf32, #tpu.memory_space<vmem>>, vector<1x256x128xf32>
    %swap3A_46 = vector.shape_cast %swap3A_45 : vector<1x256x128xf32> to vector<256x128xf32>
    %swap3A_47 = vector.shape_cast %dot_general3A_41 : vector<256x128xf32> to vector<1x256x128xf32>
    tpu.vector_store %arg8[%swap3A_42, %swap3A_43, %swap3A_44], %swap3A_47 {strides = array<i32>} : memref<1x256x128xf32, #tpu.memory_space<vmem>>, vector<1x256x128xf32>,
    %get3A_48 = arith.constant 0 : index
    %get3A_49 = arith.constant 0 : index
    %get3A_50 = vector.load %arg5[%get3A_48, %get3A_49] : memref<8x64xf32, #tpu.memory_space<vmem>>, vector<8x64xf32>
    %dot_general3A_51 = arith.constant dense<0.000000e+00> : vector<256x64xf32>
    %dot_general3A_52 = tpu.matmul %get3A_3, %get3A_50, %dot_general3A_51 {dimension_numbers = #tpu.dot_dimension_numbers<[1], [0], [0], [1], [0, 0, 1, 1], [], []>, transpose_lhs_hint = false} : vector<256x8xf32>, vector<8x64xf32>, vector<256x64xf32> -> vector<256x64xf32>
    %get3A_53 = arith.constant 0 : index
    %get3A_54 = arith.constant 0 : index
    %get3A_55 = vector.load %arg6[%get3A_53, %get3A_54] : memref<1x64xf32, #tpu.memory_space<vmem>>, vector<1x64xf32>
    %add3A_56 = vector.broadcast %get3A_55 : vector<1x64xf32> to vector<256x64xf32>
    %add3A_57 = arith.addf %dot_general3A_52, %add3A_56 : vector<256x64xf32>
    %swap3A_58 = arith.constant 0 : index
    %swap3A_59 = arith.constant 0 : index
    %swap3A_60 = arith.constant 0 : index
    %swap3A_61 = vector.load %arg9[%swap3A_58, %swap3A_59, %swap3A_60] : memref<1x256x64xf32, #tpu.memory_space<vmem>>, vector<1x256x64xf32>
    %swap3A_62 = vector.shape_cast %swap3A_61 : vector<1x256x64xf32> to vector<256x64xf32>
    %swap3A_63 = vector.shape_cast %add3A_57 : vector<256x64xf32> to vector<1x256x64xf32>
    tpu.vector_store %arg9[%swap3A_58, %swap3A_59, %swap3A_60], %swap3A_63 {strides = array<i32>} : memref<1x256x64xf32, #tpu.memory_space<vmem>>, vector<1x256x64xf32>,
    return
  }
  func.func @transform_0(%arg0: i32, %arg1: i32) -> (i32, i32, i32) {
    %c0_i32 = arith.constant 0 : i32
    %c0_i32_0 = arith.constant 0 : i32
    return %arg0, %arg1, %c0_i32 : i32, i32, i32
  }
  func.func @transform_1(%arg0: i32, %arg1: i32) -> (i32, i32, i32) {
    %c0_i32 = arith.constant 0 : i32
    %c0_i32_0 = arith.constant 0 : i32
    %c0_i32_1 = arith.constant 0 : i32
    return %arg0, %c0_i32, %c0_i32_0 : i32, i32, i32
  }
  func.func @transform_2(%arg0: i32, %arg1: i32) -> (i32, i32) {
    %c0_i32 = arith.constant 0 : i32
    %c0_i32_0 = arith.constant 0 : i32
    %c0_i32_1 = arith.constant 0 : i32
    return %c0_i32, %c0_i32_0 : i32, i32
  }
  func.func @transform_3(%arg0: i32, %arg1: i32) -> (i32, i32) {
    %c0_i32 = arith.constant 0 : i32
    %c0_i32_0 = arith.constant 0 : i32
    %c0_i32_1 = arith.constant 0 : i32
    return %c0_i32, %c0_i32_0 : i32, i32
  }
  func.func @transform_4(%arg0: i32, %arg1: i32) -> (i32, i32) {
    %c0_i32 = arith.constant 0 : i32
    %c0_i32_0 = arith.constant 0 : i32
    %c0_i32_1 = arith.constant 0 : i32
    return %c0_i32, %c0_i32_0 : i32, i32
  }
  func.func @transform_5(%arg0: i32, %arg1: i32) -> (i32, i32, i32) {
    %c0_i32 = arith.constant 0 : i32
    %c0_i32_0 = arith.constant 0 : i32
    return %arg0, %arg1, %c0_i32 : i32, i32, i32
  }
  func.func @transform_6(%arg0: i32, %arg1: i32) -> (i32, i32, i32) {
    %c0_i32 = arith.constant 0 : i32
    %c0_i32_0 = arith.constant 0 : i32
    return %arg0, %arg1, %c0_i32 : i32, i32, i32
  }
  func.func @transform_7(%arg0: i32, %arg1: i32) -> (i32, i32, i32) {
    %c0_i32 = arith.constant 0 : i32
    %c0_i32_0 = arith.constant 0 : i32
    return %arg0, %arg1, %c0_i32 : i32, i32, i32
  }
}

module attributes {stable_mosaic.version = 14 : i64} {
  func.func @_edge_body(%arg0: i32, %arg1: memref<20x256x128xf32, #tpu.memory_space<vmem>>, %arg2: memref<256x64xf32, #tpu.memory_space<vmem>>, %arg3: memref<64x64xf32, #tpu.memory_space<vmem>>, %arg4: memref<1x64xf32, #tpu.memory_space<vmem>>, %arg5: memref<256x64xf32, #tpu.memory_space<vmem>>) attributes {dimension_semantics = [#tpu.dimension_semantics<arbitrary>], iteration_bounds = array<i64: 64>, scalar_prefetch = 0 : i64, scratch_operands = 0 : i64, tpu.core_type = #tpu.core_type<tc>, window_params = [{transform_indices = @transform_0, window_bounds = array<i64: 20, 256, 128>}, {transform_indices = @transform_1, window_bounds = array<i64: 256, 64>}, {pipeline_mode = #tpu.pipeline_mode<synchronous>, transform_indices = @transform_2, window_bounds = array<i64: 64, 64>}, {pipeline_mode = #tpu.pipeline_mode<synchronous>, transform_indices = @transform_3, window_bounds = array<i64: 1, 64>}, {transform_indices = @transform_4, window_bounds = array<i64: 256, 64>}]} {
    %get3A = arith.constant 0 : index
    %get3A_0 = arith.constant 0 : index
    %get3A_1 = vector.load %arg2[%get3A, %get3A_0] : memref<256x64xf32, #tpu.memory_space<vmem>>, vector<256x64xf32>
    %get3A_2 = arith.constant 0 : index
    %get3A_3 = arith.constant 0 : index
    %get3A_4 = arith.constant 0 : index
    %get3A_5 = vector.load %arg1[%get3A_2, %get3A_3, %get3A_4] : memref<20x256x128xf32, #tpu.memory_space<vmem>>, vector<20x256x128xf32>
    %reshape3A = vector.shape_cast %get3A_5 : vector<20x256x128xf32> to vector<5120x128xf32>
    %slice3A = vector.extract_strided_slice %reshape3A {offsets = [0, 0], sizes = [5120, 64], strides = [1, 1]} : vector<5120x128xf32> to vector<5120x64xf32>
    %tile3A = tpu.concatenate %get3A_1, %get3A_1, %get3A_1, %get3A_1, %get3A_1, %get3A_1, %get3A_1, %get3A_1, %get3A_1, %get3A_1, %get3A_1, %get3A_1, %get3A_1, %get3A_1, %get3A_1, %get3A_1, %get3A_1, %get3A_1, %get3A_1, %get3A_1 in 0 : vector<256x64xf32>, vector<256x64xf32>, vector<256x64xf32>, vector<256x64xf32>, vector<256x64xf32>, vector<256x64xf32>, vector<256x64xf32>, vector<256x64xf32>, vector<256x64xf32>, vector<256x64xf32>, vector<256x64xf32>, vector<256x64xf32>, vector<256x64xf32>, vector<256x64xf32>, vector<256x64xf32>, vector<256x64xf32>, vector<256x64xf32>, vector<256x64xf32>, vector<256x64xf32>, vector<256x64xf32> -> vector<5120x64xf32>
    %add3A = arith.addf %slice3A, %tile3A : vector<5120x64xf32>
    %ge3A = arith.constant 0.000000e+00 : f32
    %ge3A_6 = vector.broadcast %ge3A : f32 to vector<5120x64xf32>
    %ge3A_7 = arith.cmpf oge, %add3A, %ge3A_6 : vector<5120x64xf32>
    %mul3A = arith.constant 2.000000e-01 : f32
    %mul3A_8 = vector.broadcast %mul3A : f32 to vector<5120x64xf32>
    %mul3A_9 = arith.mulf %mul3A_8, %add3A : vector<5120x64xf32>
    %select_n3A = arith.select %ge3A_7, %add3A, %mul3A_9 : vector<5120x64xi1>, vector<5120x64xf32>
    %get3A_10 = arith.constant 0 : index
    %get3A_11 = arith.constant 0 : index
    %get3A_12 = vector.load %arg3[%get3A_10, %get3A_11] : memref<64x64xf32, #tpu.memory_space<vmem>>, vector<64x64xf32>
    %dot_general3A = arith.constant dense<0.000000e+00> : vector<5120x64xf32>
    %dot_general3A_13 = tpu.matmul %select_n3A, %get3A_12, %dot_general3A {dimension_numbers = #tpu.dot_dimension_numbers<[1], [0], [0], [1], [0, 0, 1, 1], [], []>, transpose_lhs_hint = false} : vector<5120x64xf32>, vector<64x64xf32>, vector<5120x64xf32> -> vector<5120x64xf32>
    %get3A_14 = arith.constant 0 : index
    %get3A_15 = arith.constant 0 : index
    %get3A_16 = vector.load %arg4[%get3A_14, %get3A_15] : memref<1x64xf32, #tpu.memory_space<vmem>>, vector<1x64xf32>
    %add3A_17 = vector.broadcast %get3A_16 : vector<1x64xf32> to vector<5120x64xf32>
    %add3A_18 = arith.addf %dot_general3A_13, %add3A_17 : vector<5120x64xf32>
    %ge3A_19 = arith.constant 0.000000e+00 : f32
    %ge3A_20 = vector.broadcast %ge3A_19 : f32 to vector<5120x64xf32>
    %ge3A_21 = arith.cmpf oge, %add3A_18, %ge3A_20 : vector<5120x64xf32>
    %mul3A_22 = arith.constant 2.000000e-01 : f32
    %mul3A_23 = vector.broadcast %mul3A_22 : f32 to vector<5120x64xf32>
    %mul3A_24 = arith.mulf %mul3A_23, %add3A_18 : vector<5120x64xf32>
    %select_n3A_25 = arith.select %ge3A_21, %add3A_18, %mul3A_24 : vector<5120x64xi1>, vector<5120x64xf32>
    %reshape3A_26 = vector.shape_cast %select_n3A_25 : vector<5120x64xf32> to vector<20x256x64xf32>
    %reduce_max3A = arith.constant dense<0xFF800000> : vector<256x64xf32>
    %reduce_max3A_27 = vector.multi_reduction <maximumf>, %reshape3A_26, %reduce_max3A [0] : vector<20x256x64xf32> to vector<256x64xf32>
    %swap3A = arith.constant 0 : index
    %swap3A_28 = arith.constant 0 : index
    %swap3A_29 = vector.load %arg5[%swap3A, %swap3A_28] : memref<256x64xf32, #tpu.memory_space<vmem>>, vector<256x64xf32>
    tpu.vector_store %arg5[%swap3A, %swap3A_28], %reduce_max3A_27 {strides = array<i32>} : memref<256x64xf32, #tpu.memory_space<vmem>>, vector<256x64xf32>,
    return
  }
  func.func @transform_0(%arg0: i32) -> (i32, i32, i32) {
    %c0_i32 = arith.constant 0 : i32
    %c0_i32_0 = arith.constant 0 : i32
    %c0_i32_1 = arith.constant 0 : i32
    return %c0_i32, %arg0, %c0_i32_0 : i32, i32, i32
  }
  func.func @transform_1(%arg0: i32) -> (i32, i32) {
    %c0_i32 = arith.constant 0 : i32
    %c0_i32_0 = arith.constant 0 : i32
    return %arg0, %c0_i32 : i32, i32
  }
  func.func @transform_2(%arg0: i32) -> (i32, i32) {
    %c0_i32 = arith.constant 0 : i32
    %c0_i32_0 = arith.constant 0 : i32
    %c0_i32_1 = arith.constant 0 : i32
    return %c0_i32, %c0_i32_0 : i32, i32
  }
  func.func @transform_3(%arg0: i32) -> (i32, i32) {
    %c0_i32 = arith.constant 0 : i32
    %c0_i32_0 = arith.constant 0 : i32
    %c0_i32_1 = arith.constant 0 : i32
    return %c0_i32, %c0_i32_0 : i32, i32
  }
  func.func @transform_4(%arg0: i32) -> (i32, i32) {
    %c0_i32 = arith.constant 0 : i32
    %c0_i32_0 = arith.constant 0 : i32
    return %arg0, %c0_i32 : i32, i32
  }
}

module attributes {stable_mosaic.version = 14 : i64} {
  func.func @_knn_body(%arg0: i32, %arg1: i32, %arg2: memref<1x256x64xf32, #tpu.memory_space<vmem>>, %arg3: memref<1x64x2048xf32, #tpu.memory_space<vmem>>, %arg4: memref<64x128xf32, #tpu.memory_space<vmem>>, %arg5: memref<64x64xf32, #tpu.memory_space<vmem>>, %arg6: memref<1x64xf32, #tpu.memory_space<vmem>>, %arg7: memref<1x256x20xi32, #tpu.memory_space<vmem>>, %arg8: memref<1x256x128xf32, #tpu.memory_space<vmem>>, %arg9: memref<1x256x64xf32, #tpu.memory_space<vmem>>) attributes {dimension_semantics = [#tpu.dimension_semantics<arbitrary>, #tpu.dimension_semantics<arbitrary>], iteration_bounds = array<i64: 8, 8>, scalar_prefetch = 0 : i64, scratch_operands = 0 : i64, tpu.core_type = #tpu.core_type<tc>, window_params = [{transform_indices = @transform_0, window_bounds = array<i64: 1, 256, 64>}, {transform_indices = @transform_1, window_bounds = array<i64: 1, 64, 2048>}, {pipeline_mode = #tpu.pipeline_mode<synchronous>, transform_indices = @transform_2, window_bounds = array<i64: 64, 128>}, {pipeline_mode = #tpu.pipeline_mode<synchronous>, transform_indices = @transform_3, window_bounds = array<i64: 64, 64>}, {pipeline_mode = #tpu.pipeline_mode<synchronous>, transform_indices = @transform_4, window_bounds = array<i64: 1, 64>}, {transform_indices = @transform_5, window_bounds = array<i64: 1, 256, 20>}, {transform_indices = @transform_6, window_bounds = array<i64: 1, 256, 128>}, {transform_indices = @transform_7, window_bounds = array<i64: 1, 256, 64>}]} {
    %get3A = arith.constant 0 : index
    %get3A_0 = arith.constant 0 : index
    %get3A_1 = arith.constant 0 : index
    %get3A_2 = vector.load %arg2[%get3A, %get3A_0, %get3A_1] : memref<1x256x64xf32, #tpu.memory_space<vmem>>, vector<1x256x64xf32>
    %get3A_3 = vector.shape_cast %get3A_2 : vector<1x256x64xf32> to vector<256x64xf32>
    %get3A_4 = arith.constant 0 : index
    %get3A_5 = arith.constant 0 : index
    %get3A_6 = arith.constant 0 : index
    %get3A_7 = vector.load %arg3[%get3A_4, %get3A_5, %get3A_6] : memref<1x64x2048xf32, #tpu.memory_space<vmem>>, vector<1x64x2048xf32>
    %get3A_8 = vector.shape_cast %get3A_7 : vector<1x64x2048xf32> to vector<64x2048xf32>
    %dot_general3A = arith.constant dense<0.000000e+00> : vector<256x2048xf32>
    %dot_general3A_9 = tpu.matmul %get3A_3, %get3A_8, %dot_general3A {dimension_numbers = #tpu.dot_dimension_numbers<[1], [0], [0], [1], [0, 0, 1, 1], [], []>, transpose_lhs_hint = false} : vector<256x64xf32>, vector<64x2048xf32>, vector<256x2048xf32> -> vector<256x2048xf32>
    %mul3A = arith.mulf %get3A_3, %get3A_3 : vector<256x64xf32>
    %reduce_sum3A = arith.constant dense<0.000000e+00> : vector<256xf32>
    %reduce_sum3A_10 = vector.multi_reduction <add>, %mul3A, %reduce_sum3A [1] : vector<256x64xf32> to vector<256xf32>
    %broadcast_in_dim3A = vector.shape_cast %reduce_sum3A_10 : vector<256xf32> to vector<256x1xf32>
    %mul3A_11 = arith.mulf %get3A_8, %get3A_8 : vector<64x2048xf32>
    %reduce_sum3A_12 = arith.constant dense<0.000000e+00> : vector<2048xf32>
    %reduce_sum3A_13 = vector.multi_reduction <add>, %mul3A_11, %reduce_sum3A_12 [0] : vector<64x2048xf32> to vector<2048xf32>
    %broadcast_in_dim3A_14 = vector.shape_cast %reduce_sum3A_13 : vector<2048xf32> to vector<1x2048xf32>
    %mul3A_15 = arith.constant 2.000000e+00 : f32
    %mul3A_16 = vector.broadcast %mul3A_15 : f32 to vector<256x2048xf32>
    %mul3A_17 = arith.mulf %mul3A_16, %dot_general3A_9 : vector<256x2048xf32>
    %sub3A = vector.broadcast %broadcast_in_dim3A : vector<256x1xf32> to vector<256x2048xf32>
    %sub3A_18 = arith.subf %mul3A_17, %sub3A : vector<256x2048xf32>
    %sub3A_19 = vector.broadcast %broadcast_in_dim3A_14 : vector<1x2048xf32> to vector<256x2048xf32>
    %sub3A_20 = arith.subf %sub3A_18, %sub3A_19 : vector<256x2048xf32>
    %iota3A = tpu.iota {dimensions = array<i32: 1>} : vector<256x2048xi32>
    %iota3A_21 = tpu.iota {dimensions = array<i32: 1>} : vector<256x20xi32>
    %broadcast_in_dim3A_22 = arith.constant 0 : i32
    %broadcast_in_dim3A_23 = vector.broadcast %broadcast_in_dim3A_22 : i32 to vector<256x20xi32>
    %scan3A = arith.constant 0 : i32
    %scan3A_24 = arith.constant 20 : i32
    %scan3A_25 = arith.addi %scan3A, %scan3A_24 : i32
    %scan3A_26 = arith.constant 1 : i32
    %scan3A_27:2 = scf.for %scan3A_64 = %scan3A to %scan3A_25 step %scan3A_26 iter_args(%scan3A_65 = %sub3A_20, %scan3A_66 = %broadcast_in_dim3A_23) -> (vector<256x2048xf32>, vector<256x20xi32>)  : i32 {
      %reduce_max3A = arith.constant dense<0xFF800000> : vector<256xf32>
      %reduce_max3A_67 = vector.multi_reduction <maximumf>, %scan3A_65, %reduce_max3A [1] : vector<256x2048xf32> to vector<256xf32>
      %broadcast_in_dim3A_68 = vector.shape_cast %reduce_max3A_67 : vector<256xf32> to vector<256x1xf32>
      %eq3A = vector.broadcast %broadcast_in_dim3A_68 : vector<256x1xf32> to vector<256x2048xf32>
      %eq3A_69 = arith.cmpf oeq, %scan3A_65, %eq3A : vector<256x2048xf32>
      %jit3A = arith.constant 2048 : i32
      %broadcast_in_dim3A_70 = vector.broadcast %jit3A : i32 to vector<256x2048xi32>
      %select_n3A = arith.select %eq3A_69, %iota3A, %broadcast_in_dim3A_70 : vector<256x2048xi1>, vector<256x2048xi32>
      %reduce_min3A = arith.constant dense<2147483647> : vector<256xi32>
      %reduce_min3A_71 = vector.multi_reduction <minsi>, %select_n3A, %reduce_min3A [1] : vector<256x2048xi32> to vector<256xi32>
      %broadcast_in_dim3A_72 = vector.shape_cast %reduce_min3A_71 : vector<256xi32> to vector<256x1xi32>
      %eq3A_73 = vector.broadcast %scan3A_64 : i32 to vector<256x20xi32>
      %eq3A_74 = arith.cmpi eq, %iota3A_21, %eq3A_73 : vector<256x20xi32>
      %broadcast_in_dim3A_75 = vector.shape_cast %broadcast_in_dim3A_72 : vector<256x1xi32> to vector<256x1xi32>
      %broadcast_in_dim3A_76 = vector.broadcast %broadcast_in_dim3A_75 : vector<256x1xi32> to vector<256x20xi32>
      %select_n3A_77 = arith.select %eq3A_74, %broadcast_in_dim3A_76, %scan3A_66 : vector<256x20xi1>, vector<256x20xi32>
      %eq3A_78 = vector.broadcast %broadcast_in_dim3A_72 : vector<256x1xi32> to vector<256x2048xi32>
      %eq3A_79 = arith.cmpi eq, %iota3A, %eq3A_78 : vector<256x2048xi32>
      %jit3A_80 = arith.constant 0xFF800000 : f32
      %broadcast_in_dim3A_81 = vector.broadcast %jit3A_80 : f32 to vector<256x2048xf32>
      %select_n3A_82 = arith.select %eq3A_79, %broadcast_in_dim3A_81, %scan3A_65 : vector<256x2048xi1>, vector<256x2048xf32>
      scf.yield %select_n3A_82, %select_n3A_77 : vector<256x2048xf32>, vector<256x20xi32>
    }
    %scan3A_28 = arith.constant 20 : i32
    %mul3A_29 = arith.constant 2048 : i32
    %mul3A_30 = arith.muli %arg0, %mul3A_29 : i32
    %add3A = vector.broadcast %mul3A_30 : i32 to vector<256x20xi32>
    %add3A_31 = arith.addi %scan3A_27#1, %add3A : vector<256x20xi32>
    %swap3A = arith.constant 0 : index
    %swap3A_32 = arith.constant 0 : index
    %swap3A_33 = arith.constant 0 : index
    %swap3A_34 = vector.load %arg7[%swap3A, %swap3A_32, %swap3A_33] : memref<1x256x20xi32, #tpu.memory_space<vmem>>, vector<1x256x20xi32>
    %swap3A_35 = vector.shape_cast %swap3A_34 : vector<1x256x20xi32> to vector<256x20xi32>
    %swap3A_36 = vector.shape_cast %add3A_31 : vector<256x20xi32> to vector<1x256x20xi32>
    tpu.vector_store %arg7[%swap3A, %swap3A_32, %swap3A_33], %swap3A_36 {strides = array<i32>} : memref<1x256x20xi32, #tpu.memory_space<vmem>>, vector<1x256x20xi32>,
    %get3A_37 = arith.constant 0 : index
    %get3A_38 = arith.constant 0 : index
    %get3A_39 = vector.load %arg4[%get3A_37, %get3A_38] : memref<64x128xf32, #tpu.memory_space<vmem>>, vector<64x128xf32>
    %dot_general3A_40 = arith.constant dense<0.000000e+00> : vector<256x128xf32>
    %dot_general3A_41 = tpu.matmul %get3A_3, %get3A_39, %dot_general3A_40 {dimension_numbers = #tpu.dot_dimension_numbers<[1], [0], [0], [1], [0, 0, 1, 1], [], []>, transpose_lhs_hint = false} : vector<256x64xf32>, vector<64x128xf32>, vector<256x128xf32> -> vector<256x128xf32>
    %swap3A_42 = arith.constant 0 : index
    %swap3A_43 = arith.constant 0 : index
    %swap3A_44 = arith.constant 0 : index
    %swap3A_45 = vector.load %arg8[%swap3A_42, %swap3A_43, %swap3A_44] : memref<1x256x128xf32, #tpu.memory_space<vmem>>, vector<1x256x128xf32>
    %swap3A_46 = vector.shape_cast %swap3A_45 : vector<1x256x128xf32> to vector<256x128xf32>
    %swap3A_47 = vector.shape_cast %dot_general3A_41 : vector<256x128xf32> to vector<1x256x128xf32>
    tpu.vector_store %arg8[%swap3A_42, %swap3A_43, %swap3A_44], %swap3A_47 {strides = array<i32>} : memref<1x256x128xf32, #tpu.memory_space<vmem>>, vector<1x256x128xf32>,
    %get3A_48 = arith.constant 0 : index
    %get3A_49 = arith.constant 0 : index
    %get3A_50 = vector.load %arg5[%get3A_48, %get3A_49] : memref<64x64xf32, #tpu.memory_space<vmem>>, vector<64x64xf32>
    %dot_general3A_51 = arith.constant dense<0.000000e+00> : vector<256x64xf32>
    %dot_general3A_52 = tpu.matmul %get3A_3, %get3A_50, %dot_general3A_51 {dimension_numbers = #tpu.dot_dimension_numbers<[1], [0], [0], [1], [0, 0, 1, 1], [], []>, transpose_lhs_hint = false} : vector<256x64xf32>, vector<64x64xf32>, vector<256x64xf32> -> vector<256x64xf32>
    %get3A_53 = arith.constant 0 : index
    %get3A_54 = arith.constant 0 : index
    %get3A_55 = vector.load %arg6[%get3A_53, %get3A_54] : memref<1x64xf32, #tpu.memory_space<vmem>>, vector<1x64xf32>
    %add3A_56 = vector.broadcast %get3A_55 : vector<1x64xf32> to vector<256x64xf32>
    %add3A_57 = arith.addf %dot_general3A_52, %add3A_56 : vector<256x64xf32>
    %swap3A_58 = arith.constant 0 : index
    %swap3A_59 = arith.constant 0 : index
    %swap3A_60 = arith.constant 0 : index
    %swap3A_61 = vector.load %arg9[%swap3A_58, %swap3A_59, %swap3A_60] : memref<1x256x64xf32, #tpu.memory_space<vmem>>, vector<1x256x64xf32>
    %swap3A_62 = vector.shape_cast %swap3A_61 : vector<1x256x64xf32> to vector<256x64xf32>
    %swap3A_63 = vector.shape_cast %add3A_57 : vector<256x64xf32> to vector<1x256x64xf32>
    tpu.vector_store %arg9[%swap3A_58, %swap3A_59, %swap3A_60], %swap3A_63 {strides = array<i32>} : memref<1x256x64xf32, #tpu.memory_space<vmem>>, vector<1x256x64xf32>,
    return
  }
  func.func @transform_0(%arg0: i32, %arg1: i32) -> (i32, i32, i32) {
    %c0_i32 = arith.constant 0 : i32
    %c0_i32_0 = arith.constant 0 : i32
    return %arg0, %arg1, %c0_i32 : i32, i32, i32
  }
  func.func @transform_1(%arg0: i32, %arg1: i32) -> (i32, i32, i32) {
    %c0_i32 = arith.constant 0 : i32
    %c0_i32_0 = arith.constant 0 : i32
    %c0_i32_1 = arith.constant 0 : i32
    return %arg0, %c0_i32, %c0_i32_0 : i32, i32, i32
  }
  func.func @transform_2(%arg0: i32, %arg1: i32) -> (i32, i32) {
    %c0_i32 = arith.constant 0 : i32
    %c0_i32_0 = arith.constant 0 : i32
    %c0_i32_1 = arith.constant 0 : i32
    return %c0_i32, %c0_i32_0 : i32, i32
  }
  func.func @transform_3(%arg0: i32, %arg1: i32) -> (i32, i32) {
    %c0_i32 = arith.constant 0 : i32
    %c0_i32_0 = arith.constant 0 : i32
    %c0_i32_1 = arith.constant 0 : i32
    return %c0_i32, %c0_i32_0 : i32, i32
  }
  func.func @transform_4(%arg0: i32, %arg1: i32) -> (i32, i32) {
    %c0_i32 = arith.constant 0 : i32
    %c0_i32_0 = arith.constant 0 : i32
    %c0_i32_1 = arith.constant 0 : i32
    return %c0_i32, %c0_i32_0 : i32, i32
  }
  func.func @transform_5(%arg0: i32, %arg1: i32) -> (i32, i32, i32) {
    %c0_i32 = arith.constant 0 : i32
    %c0_i32_0 = arith.constant 0 : i32
    return %arg0, %arg1, %c0_i32 : i32, i32, i32
  }
  func.func @transform_6(%arg0: i32, %arg1: i32) -> (i32, i32, i32) {
    %c0_i32 = arith.constant 0 : i32
    %c0_i32_0 = arith.constant 0 : i32
    return %arg0, %arg1, %c0_i32 : i32, i32, i32
  }
  func.func @transform_7(%arg0: i32, %arg1: i32) -> (i32, i32, i32) {
    %c0_i32 = arith.constant 0 : i32
    %c0_i32_0 = arith.constant 0 : i32
    return %arg0, %arg1, %c0_i32 : i32, i32, i32
  }
}

module attributes {stable_mosaic.version = 14 : i64} {
  func.func @_max3_body(%arg0: i32, %arg1: memref<20x256x128xf32, #tpu.memory_space<vmem>>, %arg2: memref<256x64xf32, #tpu.memory_space<vmem>>, %arg3: memref<256x64xf32, #tpu.memory_space<vmem>>) attributes {dimension_semantics = [#tpu.dimension_semantics<arbitrary>], iteration_bounds = array<i64: 64>, scalar_prefetch = 0 : i64, scratch_operands = 0 : i64, tpu.core_type = #tpu.core_type<tc>, window_params = [{transform_indices = @transform_0, window_bounds = array<i64: 20, 256, 128>}, {transform_indices = @transform_1, window_bounds = array<i64: 256, 64>}, {transform_indices = @transform_2, window_bounds = array<i64: 256, 64>}]} {
    %get3A = arith.constant 0 : index
    %get3A_0 = arith.constant 0 : index
    %get3A_1 = arith.constant 0 : index
    %get3A_2 = vector.load %arg1[%get3A, %get3A_0, %get3A_1] : memref<20x256x128xf32, #tpu.memory_space<vmem>>, vector<20x256x128xf32>
    %reduce_max3A = arith.constant dense<0xFF800000> : vector<256x128xf32>
    %reduce_max3A_3 = vector.multi_reduction <maximumf>, %get3A_2, %reduce_max3A [0] : vector<20x256x128xf32> to vector<256x128xf32>
    %slice3A = vector.extract_strided_slice %reduce_max3A_3 {offsets = [0, 0], sizes = [256, 64], strides = [1, 1]} : vector<256x128xf32> to vector<256x64xf32>
    %get3A_4 = arith.constant 0 : index
    %get3A_5 = arith.constant 0 : index
    %get3A_6 = vector.load %arg2[%get3A_4, %get3A_5] : memref<256x64xf32, #tpu.memory_space<vmem>>, vector<256x64xf32>
    %add3A = arith.addf %slice3A, %get3A_6 : vector<256x64xf32>
    %ge3A = arith.constant 0.000000e+00 : f32
    %ge3A_7 = vector.broadcast %ge3A : f32 to vector<256x64xf32>
    %ge3A_8 = arith.cmpf oge, %add3A, %ge3A_7 : vector<256x64xf32>
    %mul3A = arith.constant 2.000000e-01 : f32
    %mul3A_9 = vector.broadcast %mul3A : f32 to vector<256x64xf32>
    %mul3A_10 = arith.mulf %mul3A_9, %add3A : vector<256x64xf32>
    %select_n3A = arith.select %ge3A_8, %add3A, %mul3A_10 : vector<256x64xi1>, vector<256x64xf32>
    %swap3A = arith.constant 0 : index
    %swap3A_11 = arith.constant 0 : index
    %swap3A_12 = vector.load %arg3[%swap3A, %swap3A_11] : memref<256x64xf32, #tpu.memory_space<vmem>>, vector<256x64xf32>
    tpu.vector_store %arg3[%swap3A, %swap3A_11], %select_n3A {strides = array<i32>} : memref<256x64xf32, #tpu.memory_space<vmem>>, vector<256x64xf32>,
    return
  }
  func.func @transform_0(%arg0: i32) -> (i32, i32, i32) {
    %c0_i32 = arith.constant 0 : i32
    %c0_i32_0 = arith.constant 0 : i32
    %c0_i32_1 = arith.constant 0 : i32
    return %c0_i32, %arg0, %c0_i32_0 : i32, i32, i32
  }
  func.func @transform_1(%arg0: i32) -> (i32, i32) {
    %c0_i32 = arith.constant 0 : i32
    %c0_i32_0 = arith.constant 0 : i32
    return %arg0, %c0_i32 : i32, i32
  }
  func.func @transform_2(%arg0: i32) -> (i32, i32) {
    %c0_i32 = arith.constant 0 : i32
    %c0_i32_0 = arith.constant 0 : i32
    return %arg0, %c0_i32 : i32, i32
  }
}

module attributes {stable_mosaic.version = 14 : i64} {
  func.func @_head_body(%arg0: i32, %arg1: memref<1x2048x64xf32, #tpu.memory_space<vmem>>, %arg2: memref<1x2048x64xf32, #tpu.memory_space<vmem>>, %arg3: memref<1x2048x64xf32, #tpu.memory_space<vmem>>, %arg4: memref<192x1024xf32, #tpu.memory_space<vmem>>, %arg5: memref<1x1024xf32, #tpu.memory_space<vmem>>, %arg6: memref<1024x512xf32, #tpu.memory_space<vmem>>, %arg7: memref<192x512xf32, #tpu.memory_space<vmem>>, %arg8: memref<1x512xf32, #tpu.memory_space<vmem>>, %arg9: memref<512x256xf32, #tpu.memory_space<vmem>>, %arg10: memref<1x256xf32, #tpu.memory_space<vmem>>, %arg11: memref<256x1xf32, #tpu.memory_space<vmem>>, %arg12: memref<1x2048x1xf32, #tpu.memory_space<vmem>>) attributes {dimension_semantics = [#tpu.dimension_semantics<arbitrary>], iteration_bounds = array<i64: 8>, scalar_prefetch = 0 : i64, scratch_operands = 0 : i64, tpu.core_type = #tpu.core_type<tc>, window_params = [{transform_indices = @transform_0, window_bounds = array<i64: 1, 2048, 64>}, {transform_indices = @transform_1, window_bounds = array<i64: 1, 2048, 64>}, {transform_indices = @transform_2, window_bounds = array<i64: 1, 2048, 64>}, {pipeline_mode = #tpu.pipeline_mode<synchronous>, transform_indices = @transform_3, window_bounds = array<i64: 192, 1024>}, {pipeline_mode = #tpu.pipeline_mode<synchronous>, transform_indices = @transform_4, window_bounds = array<i64: 1, 1024>}, {pipeline_mode = #tpu.pipeline_mode<synchronous>, transform_indices = @transform_5, window_bounds = array<i64: 1024, 512>}, {pipeline_mode = #tpu.pipeline_mode<synchronous>, transform_indices = @transform_6, window_bounds = array<i64: 192, 512>}, {pipeline_mode = #tpu.pipeline_mode<synchronous>, transform_indices = @transform_7, window_bounds = array<i64: 1, 512>}, {pipeline_mode = #tpu.pipeline_mode<synchronous>, transform_indices = @transform_8, window_bounds = array<i64: 512, 256>}, {pipeline_mode = #tpu.pipeline_mode<synchronous>, transform_indices = @transform_9, window_bounds = array<i64: 1, 256>}, {pipeline_mode = #tpu.pipeline_mode<synchronous>, transform_indices = @transform_10, window_bounds = array<i64: 256, 1>}, {transform_indices = @transform_11, window_bounds = array<i64: 1, 2048, 1>}]} {
    %get3A = arith.constant 0 : index
    %get3A_0 = arith.constant 0 : index
    %get3A_1 = arith.constant 0 : index
    %get3A_2 = vector.load %arg1[%get3A, %get3A_0, %get3A_1] : memref<1x2048x64xf32, #tpu.memory_space<vmem>>, vector<1x2048x64xf32>
    %get3A_3 = vector.shape_cast %get3A_2 : vector<1x2048x64xf32> to vector<2048x64xf32>
    %get3A_4 = arith.constant 0 : index
    %get3A_5 = arith.constant 0 : index
    %get3A_6 = arith.constant 0 : index
    %get3A_7 = vector.load %arg2[%get3A_4, %get3A_5, %get3A_6] : memref<1x2048x64xf32, #tpu.memory_space<vmem>>, vector<1x2048x64xf32>
    %get3A_8 = vector.shape_cast %get3A_7 : vector<1x2048x64xf32> to vector<2048x64xf32>
    %get3A_9 = arith.constant 0 : index
    %get3A_10 = arith.constant 0 : index
    %get3A_11 = arith.constant 0 : index
    %get3A_12 = vector.load %arg3[%get3A_9, %get3A_10, %get3A_11] : memref<1x2048x64xf32, #tpu.memory_space<vmem>>, vector<1x2048x64xf32>
    %get3A_13 = vector.shape_cast %get3A_12 : vector<1x2048x64xf32> to vector<2048x64xf32>
    %concatenate3A = tpu.concatenate %get3A_3, %get3A_8, %get3A_13 in 1 : vector<2048x64xf32>, vector<2048x64xf32>, vector<2048x64xf32> -> vector<2048x192xf32>
    %get3A_14 = arith.constant 0 : index
    %get3A_15 = arith.constant 0 : index
    %get3A_16 = vector.load %arg4[%get3A_14, %get3A_15] : memref<192x1024xf32, #tpu.memory_space<vmem>>, vector<192x1024xf32>
    %dot_general3A = arith.constant dense<0.000000e+00> : vector<2048x1024xf32>
    %dot_general3A_17 = tpu.matmul %concatenate3A, %get3A_16, %dot_general3A {dimension_numbers = #tpu.dot_dimension_numbers<[1], [0], [0], [1], [0, 0, 1, 1], [], []>, transpose_lhs_hint = false} : vector<2048x192xf32>, vector<192x1024xf32>, vector<2048x1024xf32> -> vector<2048x1024xf32>
    %get3A_18 = arith.constant 0 : index
    %get3A_19 = arith.constant 0 : index
    %get3A_20 = vector.load %arg5[%get3A_18, %get3A_19] : memref<1x1024xf32, #tpu.memory_space<vmem>>, vector<1x1024xf32>
    %add3A = vector.broadcast %get3A_20 : vector<1x1024xf32> to vector<2048x1024xf32>
    %add3A_21 = arith.addf %dot_general3A_17, %add3A : vector<2048x1024xf32>
    %ge3A = arith.constant 0.000000e+00 : f32
    %ge3A_22 = vector.broadcast %ge3A : f32 to vector<2048x1024xf32>
    %ge3A_23 = arith.cmpf oge, %add3A_21, %ge3A_22 : vector<2048x1024xf32>
    %mul3A = arith.constant 2.000000e-01 : f32
    %mul3A_24 = vector.broadcast %mul3A : f32 to vector<2048x1024xf32>
    %mul3A_25 = arith.mulf %mul3A_24, %add3A_21 : vector<2048x1024xf32>
    %select_n3A = arith.select %ge3A_23, %add3A_21, %mul3A_25 : vector<2048x1024xi1>, vector<2048x1024xf32>
    %reduce_max3A = arith.constant dense<0xFF800000> : vector<1024xf32>
    %reduce_max3A_26 = vector.multi_reduction <maximumf>, %select_n3A, %reduce_max3A [0] : vector<2048x1024xf32> to vector<1024xf32>
    %broadcast_in_dim3A = vector.shape_cast %reduce_max3A_26 : vector<1024xf32> to vector<1x1024xf32>
    %get3A_27 = arith.constant 0 : index
    %get3A_28 = arith.constant 0 : index
    %get3A_29 = vector.load %arg6[%get3A_27, %get3A_28] : memref<1024x512xf32, #tpu.memory_space<vmem>>, vector<1024x512xf32>
    %dot_general3A_30 = arith.constant dense<0.000000e+00> : vector<1x512xf32>
    %dot_general3A_31 = tpu.matmul %broadcast_in_dim3A, %get3A_29, %dot_general3A_30 {dimension_numbers = #tpu.dot_dimension_numbers<[1], [0], [0], [1], [0, 0, 1, 1], [], []>, transpose_lhs_hint = false} : vector<1x1024xf32>, vector<1024x512xf32>, vector<1x512xf32> -> vector<1x512xf32>
    %get3A_32 = arith.constant 0 : index
    %get3A_33 = arith.constant 0 : index
    %get3A_34 = vector.load %arg7[%get3A_32, %get3A_33] : memref<192x512xf32, #tpu.memory_space<vmem>>, vector<192x512xf32>
    %dot_general3A_35 = arith.constant dense<0.000000e+00> : vector<2048x512xf32>
    %dot_general3A_36 = tpu.matmul %concatenate3A, %get3A_34, %dot_general3A_35 {dimension_numbers = #tpu.dot_dimension_numbers<[1], [0], [0], [1], [0, 0, 1, 1], [], []>, transpose_lhs_hint = false} : vector<2048x192xf32>, vector<192x512xf32>, vector<2048x512xf32> -> vector<2048x512xf32>
    %add3A_37 = vector.broadcast %dot_general3A_31 : vector<1x512xf32> to vector<2048x512xf32>
    %add3A_38 = arith.addf %dot_general3A_36, %add3A_37 : vector<2048x512xf32>
    %get3A_39 = arith.constant 0 : index
    %get3A_40 = arith.constant 0 : index
    %get3A_41 = vector.load %arg8[%get3A_39, %get3A_40] : memref<1x512xf32, #tpu.memory_space<vmem>>, vector<1x512xf32>
    %add3A_42 = vector.broadcast %get3A_41 : vector<1x512xf32> to vector<2048x512xf32>
    %add3A_43 = arith.addf %add3A_38, %add3A_42 : vector<2048x512xf32>
    %ge3A_44 = arith.constant 0.000000e+00 : f32
    %ge3A_45 = vector.broadcast %ge3A_44 : f32 to vector<2048x512xf32>
    %ge3A_46 = arith.cmpf oge, %add3A_43, %ge3A_45 : vector<2048x512xf32>
    %mul3A_47 = arith.constant 2.000000e-01 : f32
    %mul3A_48 = vector.broadcast %mul3A_47 : f32 to vector<2048x512xf32>
    %mul3A_49 = arith.mulf %mul3A_48, %add3A_43 : vector<2048x512xf32>
    %select_n3A_50 = arith.select %ge3A_46, %add3A_43, %mul3A_49 : vector<2048x512xi1>, vector<2048x512xf32>
    %get3A_51 = arith.constant 0 : index
    %get3A_52 = arith.constant 0 : index
    %get3A_53 = vector.load %arg9[%get3A_51, %get3A_52] : memref<512x256xf32, #tpu.memory_space<vmem>>, vector<512x256xf32>
    %dot_general3A_54 = arith.constant dense<0.000000e+00> : vector<2048x256xf32>
    %dot_general3A_55 = tpu.matmul %select_n3A_50, %get3A_53, %dot_general3A_54 {dimension_numbers = #tpu.dot_dimension_numbers<[1], [0], [0], [1], [0, 0, 1, 1], [], []>, transpose_lhs_hint = false} : vector<2048x512xf32>, vector<512x256xf32>, vector<2048x256xf32> -> vector<2048x256xf32>
    %get3A_56 = arith.constant 0 : index
    %get3A_57 = arith.constant 0 : index
    %get3A_58 = vector.load %arg10[%get3A_56, %get3A_57] : memref<1x256xf32, #tpu.memory_space<vmem>>, vector<1x256xf32>
    %add3A_59 = vector.broadcast %get3A_58 : vector<1x256xf32> to vector<2048x256xf32>
    %add3A_60 = arith.addf %dot_general3A_55, %add3A_59 : vector<2048x256xf32>
    %ge3A_61 = arith.constant 0.000000e+00 : f32
    %ge3A_62 = vector.broadcast %ge3A_61 : f32 to vector<2048x256xf32>
    %ge3A_63 = arith.cmpf oge, %add3A_60, %ge3A_62 : vector<2048x256xf32>
    %mul3A_64 = arith.constant 2.000000e-01 : f32
    %mul3A_65 = vector.broadcast %mul3A_64 : f32 to vector<2048x256xf32>
    %mul3A_66 = arith.mulf %mul3A_65, %add3A_60 : vector<2048x256xf32>
    %select_n3A_67 = arith.select %ge3A_63, %add3A_60, %mul3A_66 : vector<2048x256xi1>, vector<2048x256xf32>
    %get3A_68 = arith.constant 0 : index
    %get3A_69 = arith.constant 0 : index
    %get3A_70 = vector.load %arg11[%get3A_68, %get3A_69] : memref<256x1xf32, #tpu.memory_space<vmem>>, vector<256x1xf32>
    %dot_general3A_71 = arith.constant dense<0.000000e+00> : vector<2048x1xf32>
    %dot_general3A_72 = tpu.matmul %select_n3A_67, %get3A_70, %dot_general3A_71 {dimension_numbers = #tpu.dot_dimension_numbers<[1], [0], [0], [1], [0, 0, 1, 1], [], []>, transpose_lhs_hint = false} : vector<2048x256xf32>, vector<256x1xf32>, vector<2048x1xf32> -> vector<2048x1xf32>
    %neg3A = arith.constant 0.000000e+00 : f32
    %neg3A_73 = vector.broadcast %neg3A : f32 to vector<2048x1xf32>
    %neg3A_74 = arith.subf %neg3A_73, %dot_general3A_72 : vector<2048x1xf32>
    %exp3A = math.exp %neg3A_74 : vector<2048x1xf32>
    %add3A_75 = arith.constant 1.000000e+00 : f32
    %add3A_76 = vector.broadcast %add3A_75 : f32 to vector<2048x1xf32>
    %add3A_77 = arith.addf %add3A_76, %exp3A : vector<2048x1xf32>
    %div3A = arith.constant 1.000000e+00 : f32
    %div3A_78 = vector.broadcast %div3A : f32 to vector<2048x1xf32>
    %div3A_79 = arith.divf %div3A_78, %add3A_77 : vector<2048x1xf32>
    %swap3A = arith.constant 0 : index
    %swap3A_80 = arith.constant 0 : index
    %swap3A_81 = arith.constant 0 : index
    %swap3A_82 = vector.load %arg12[%swap3A, %swap3A_80, %swap3A_81] : memref<1x2048x1xf32, #tpu.memory_space<vmem>>, vector<1x2048x1xf32>
    %swap3A_83 = vector.shape_cast %swap3A_82 : vector<1x2048x1xf32> to vector<2048x1xf32>
    %swap3A_84 = vector.shape_cast %div3A_79 : vector<2048x1xf32> to vector<1x2048x1xf32>
    tpu.vector_store %arg12[%swap3A, %swap3A_80, %swap3A_81], %swap3A_84 {strides = array<i32>} : memref<1x2048x1xf32, #tpu.memory_space<vmem>>, vector<1x2048x1xf32>,
    return
  }
  func.func @transform_0(%arg0: i32) -> (i32, i32, i32) {
    %c0_i32 = arith.constant 0 : i32
    %c0_i32_0 = arith.constant 0 : i32
    %c0_i32_1 = arith.constant 0 : i32
    return %arg0, %c0_i32, %c0_i32_0 : i32, i32, i32
  }
  func.func @transform_1(%arg0: i32) -> (i32, i32, i32) {
    %c0_i32 = arith.constant 0 : i32
    %c0_i32_0 = arith.constant 0 : i32
    %c0_i32_1 = arith.constant 0 : i32
    return %arg0, %c0_i32, %c0_i32_0 : i32, i32, i32
  }
  func.func @transform_2(%arg0: i32) -> (i32, i32, i32) {
    %c0_i32 = arith.constant 0 : i32
    %c0_i32_0 = arith.constant 0 : i32
    %c0_i32_1 = arith.constant 0 : i32
    return %arg0, %c0_i32, %c0_i32_0 : i32, i32, i32
  }
  func.func @transform_3(%arg0: i32) -> (i32, i32) {
    %c0_i32 = arith.constant 0 : i32
    %c0_i32_0 = arith.constant 0 : i32
    %c0_i32_1 = arith.constant 0 : i32
    return %c0_i32, %c0_i32_0 : i32, i32
  }
  func.func @transform_4(%arg0: i32) -> (i32, i32) {
    %c0_i32 = arith.constant 0 : i32
    %c0_i32_0 = arith.constant 0 : i32
    %c0_i32_1 = arith.constant 0 : i32
    return %c0_i32, %c0_i32_0 : i32, i32
  }
  func.func @transform_5(%arg0: i32) -> (i32, i32) {
    %c0_i32 = arith.constant 0 : i32
    %c0_i32_0 = arith.constant 0 : i32
    %c0_i32_1 = arith.constant 0 : i32
    return %c0_i32, %c0_i32_0 : i32, i32
  }
  func.func @transform_6(%arg0: i32) -> (i32, i32) {
    %c0_i32 = arith.constant 0 : i32
    %c0_i32_0 = arith.constant 0 : i32
    %c0_i32_1 = arith.constant 0 : i32
    return %c0_i32, %c0_i32_0 : i32, i32
  }
  func.func @transform_7(%arg0: i32) -> (i32, i32) {
    %c0_i32 = arith.constant 0 : i32
    %c0_i32_0 = arith.constant 0 : i32
    %c0_i32_1 = arith.constant 0 : i32
    return %c0_i32, %c0_i32_0 : i32, i32
  }
  func.func @transform_8(%arg0: i32) -> (i32, i32) {
    %c0_i32 = arith.constant 0 : i32
    %c0_i32_0 = arith.constant 0 : i32
    %c0_i32_1 = arith.constant 0 : i32
    return %c0_i32, %c0_i32_0 : i32, i32
  }
  func.func @transform_9(%arg0: i32) -> (i32, i32) {
    %c0_i32 = arith.constant 0 : i32
    %c0_i32_0 = arith.constant 0 : i32
    %c0_i32_1 = arith.constant 0 : i32
    return %c0_i32, %c0_i32_0 : i32, i32
  }
  func.func @transform_10(%arg0: i32) -> (i32, i32) {
    %c0_i32 = arith.constant 0 : i32
    %c0_i32_0 = arith.constant 0 : i32
    %c0_i32_1 = arith.constant 0 : i32
    return %c0_i32, %c0_i32_0 : i32, i32
  }
  func.func @transform_11(%arg0: i32) -> (i32, i32, i32) {
    %c0_i32 = arith.constant 0 : i32
    %c0_i32_0 = arith.constant 0 : i32
    %c0_i32_1 = arith.constant 0 : i32
    return %arg0, %c0_i32, %c0_i32_0 : i32, i32, i32
  }
}

</mosaic_0001>

<sc_bundles>
// kernel: kernel.12.cloned.1.call-start
scs
__scs_entry_jumppad:
0x0: {  	(pc) =	sbr.rel $0x88, $3  }
0x1: {  	(tag) =	ssettag $0x0;
	lr =	simm.s32 $0x1  }
0x2: {  	[smem:$0x3F87] =	sst lr;
	_ =	strace $0xD0000000  }
0x3: {  	_ = 	snop  }
0x4: {  	_ = 	snop  }
0x5: {  	_ = 	snop  }
0x6: {  	_ = 	snop  }
0x7: {  	_ = 	snop  }
__scs_overlays_trampoline_lowered:
0x8: {  	[smem:$0x3F96] =	sst s0  }
0x9: {  	[smem:$0x3F97] =	sst s1  }
0xa: {  	[smem:$0x3F98] =	sst s2  }
0xb: {  	[smem:$0x3F99] =	sst s3  }
0xc: {  	[smem:$0x3F9A] =	sst s4  }
0xd: {  	[smem:$0x3F9B] =	sst s5  }
0xe: {  	[smem:$0x3F9C] =	sst s6  }
0xf: {  	[smem:$0x3F9D] =	sst s7  }
0x10: {  	[smem:$0x3F9E] =	sst s8  }
0x11: {  	[smem:$0x3F9F] =	sst s9;
	s0 =	simm.s32 @!p0 $0x0  }
0x12: {  	s1 =	sld [smem:$0x3F85];
	s0 =	simm.s32 @p0 $0x1  }
0x13: {  	[smem:$0x3FA0] =	sst s0;
	s0 =	simm.s32 @!p1 $0x0  }
0x14: {  	s2 =	sld [smem:$0x3F84];
	s0 =	simm.s32 @p1 $0x1  }
0x15: {  	[smem:$0x3FA1] =	sst s0;
	s0 =	simm.s32 @!p2 $0x0  }
0x16: {  	s3 =	sld [smem:$0x3FDB];
	s0 =	simm.s32 @p2 $0x1  }
0x17: {  	s4 =	simm.s32 $0x1BF5;
	[smem:$0x3FA3] =	sst s0  }
0x18: {  	s0 =	sld [smem:$0x3F86];
	_ =	swait.ge [sflag:s4], $0x0  }
0x19: {  	s7 =	sld [smem:$0x3F87]  }
0x1a: {  	s8 =	sadd.s32 $0xFFFFE003, lr  }
0x1b: {  	s9 =	sadd.s32 $0xFFFFFEF7, lr;
	s5 =	simm.s32 $0xFFFFFFFF;
	p2 =	slt.u32 s8, $0xFFFFF086  }
0x1c: {  	p1 =	slt.u32 s9, $0xF7A;
	s5 =	simm.s32 @!p2 $0x0  }
0x1d: {  	s5 =	simm.s32 @p1 $0x1;
	p0 =	seq.s32 s7, s2  }
0x1e: {  	s7 =	smul.u32 @!p0 $0xF7A, s2;
	p2 =	seq.s32 @!p0 s5, $0x0  }
0x1f: {  	s9 =	smul.u32 $0xF7A, s1;
	s8 =	simm.s32 @!p0 $0x1BF5;
	p2 =	por !p2, p0  }
0x20: {  	[sflag:s8] =	ssyncset.s32 @!p0 $0xFFFFF086;
	s6 =	sadd.s32 @!p0 s3, s7;
	s7 =	simm.s32 @!p0 $0x108  }
0x21: {  	s3 =	sadd.s32 s3, s9;
	s6 =	sadd.s32 @!p0 $0x88, s6;
	s7 =	simm.s32 @p2 $0x1082  }
0x22: {  	[simem:s7], [sflag:s8] =	dma.local @!p0 [hbm:s6], $0xF7A  }
0x23: {  	s9 =	sor.u32 $0xD0000000, s2;
	s6 =	simm.s32 $0x108;
	_ =	swait.ge @!p0 [sflag:s8], $0x0  }
0x24: {  	s3 =	sadd.s32 $0x88, s3;
	s6 =	simm.s32 @!p1 $0x1082;
	[sflag:s4] =	ssyncset.s32 $0xFFFFF086  }
0x25: {  	[simem:s6], [sflag:s4] =	dma.local [hbm:s3], $0xF7A  }
0x26: {  	[smem:$0x3F87] =	sst s1;
	(tag) =	ssettag s2;
	_ =	strace s9  }
0x27: {  	s1 =	sld [smem:$0x3F97]  }
0x28: {  	s2 =	sld [smem:$0x3F98]  }
0x29: {  	s4 =	sld [smem:$0x3F9A]  }
0x2a: {  	p0 =	seq.s32 s5, $0x0;
	s5 =	sld [smem:$0x3F9B]  }
0x2b: {  	s6 =	sld [smem:$0x3F9C]  }
0x2c: {  	s7 =	sld [smem:$0x3F9D]  }
0x2d: {  	s3 =	simm.s32 $0x108;
	s8 =	sld [smem:$0x3F9E]  }
0x2e: {  	s3 =	simm.s32 @!p0 $0x1082;
	s9 =	sld [smem:$0x3F9F]  }
0x2f: {  	lr =	sadd.s32 s0, s3;
	s0 =	sld [smem:$0x3F96]  }
0x30: {  	s3 =	sld [smem:$0x3F99]  }
0x31: {  	[smem:$0x3FA2] =	sst s10  }
0x32: {  	s10 =	sld [smem:$0x3FA0];
	_ =	sdelay $0x3  }
0x33: {  	p0 =	seq.s32 s10, $0x1;
	s10 =	sld [smem:$0x3FA2];
	_ =	sdelay $0x3  }
0x34: {  	[smem:$0x3FA2] =	sst s10  }
0x35: {  	s10 =	sld [smem:$0x3FA1];
	_ =	sdelay $0x3  }
0x36: {  	p1 =	seq.s32 s10, $0x1;
	s10 =	sld [smem:$0x3FA2];
	_ =	sdelay $0x3  }
0x37: {  	[smem:$0x3FA2] =	sst s10  }
0x38: {  	s10 =	sld [smem:$0x3FA3]  }
0x39: {  	_ = 	snop;
	(pc) =	sbr.ind lr, $3  }
0x3a: {  	_ = 	snop  }
0x3b: {  	_ = 	snop  }
0x3c: {  	p2 =	seq.s32 s10, $0x1;
	s10 =	sld [smem:$0x3FA2]  }
0x3d: {  	_ =	shalt  }
0x3e: {  	_ =	shalt  }
0x3f: {  	_ =	shalt  }
0x40: {  	_ =	shalt  }
0x41: {  	_ =	shalt  }
0x42: {  	_ =	shalt  }
0x43: {  	_ =	shalt  }
0x44: {  	_ =	shalt  }
0x45: {  	_ =	shalt  }
0x46: {  	_ =	shalt  }
0x47: {  	_ =	shalt  }
0x48: {  	_ =	shalt  }
0x49: {  	_ =	shalt  }
0x4a: {  	_ =	shalt  }
0x4b: {  	_ =	shalt  }
0x4c: {  	_ =	shalt  }
0x4d: {  	_ =	shalt  }
0x4e: {  	_ =	shalt  }
0x4f: {  	_ =	shalt  }
0x50: {  	_ =	shalt  }
0x51: {  	_ =	shalt  }
0x52: {  	_ =	shalt  }
0x53: {  	_ =	shalt  }
0x54: {  	_ =	shalt  }
0x55: {  	_ =	shalt  }
0x56: {  	_ =	shalt  }
0x57: {  	_ =	shalt  }
0x58: {  	_ =	shalt  }
0x59: {  	_ =	shalt  }
0x5a: {  	_ =	shalt  }
0x5b: {  	_ =	shalt  }
0x5c: {  	_ =	shalt  }
0x5d: {  	_ =	shalt  }
0x5e: {  	_ =	shalt  }
0x5f: {  	_ =	shalt  }
0x60: {  	_ =	shalt  }
0x61: {  	_ =	shalt  }
0x62: {  	_ =	shalt  }
0x63: {  	_ =	shalt  }
0x64: {  	_ =	shalt  }
0x65: {  	_ =	shalt  }
0x66: {  	_ =	shalt  }
0x67: {  	_ =	shalt  }
0x68: {  	_ =	shalt  }
0x69: {  	_ =	shalt  }
0x6a: {  	_ =	shalt  }
0x6b: {  	_ =	shalt  }
0x6c: {  	_ =	shalt  }
0x6d: {  	_ =	shalt  }
0x6e: {  	_ =	shalt  }
0x6f: {  	_ =	shalt  }
0x70: {  	_ =	shalt  }
0x71: {  	_ =	shalt  }
0x72: {  	_ =	shalt  }
0x73: {  	_ =	shalt  }
0x74: {  	_ =	shalt  }
0x75: {  	_ =	shalt  }
0x76: {  	_ =	shalt  }
0x77: {  	_ =	shalt  }
0x78: {  	_ =	shalt  }
0x79: {  	_ =	shalt  }
0x7a: {  	_ =	shalt  }
0x7b: {  	_ =	shalt  }
0x7c: {  	_ =	shalt  }
0x7d: {  	_ =	shalt  }
0x7e: {  	_ =	shalt  }
0x7f: {  	_ =	shalt  }
0x80: {  	_ =	shalt  }
0x81: {  	_ =	shalt  }
0x82: {  	_ =	shalt  }
0x83: {  	_ =	shalt  }
0x84: {  	_ =	shalt  }
0x85: {  	_ =	shalt  }
0x86: {  	_ =	shalt  }
0x87: {  	_ =	shalt  }
.Lfunc_end0:
.L_simem_size_0:
called_computation_lowered:
.L_overlay_start_0:
0x88: {  	s2 =	sld [smem:$0x3FD9]  }
0x89: {  	s3 =	sld [smem:$0x3FFE];
	_ =	sdelay $0x1  }
0x8a: {  	s1 =	srdreg.scid  }
0x8b: {  	s0 =	sand.u32 $0x1, s1  }
0x8c: {  	s16 =	sshll.u32 s0, $0xA;
	s2 =	sadd.s32 s3, s2  }
0x8d: {  	s2 =	sadd.s32 s2, s16  }
0x8e: {  	[smem:$0x3FAE] =	sst s2  }
0x8f: {  	_ = 	snop  }
0x90: {  	(tm) =	ssettm $0x1  }
0x91: {  	s17 =	sld [smem:$0x3FFB];
	_ =	sdelay $0x3  }
0x92: {  	_ =	strace s17  }
0x93: {  	s2 =	sld [smem:$0x3FFC];
	_ =	sdelay $0x3  }
0x94: {  	_ =	strace s2  }
0x95: {  	s2 =	sld [smem:$0x3FFD];
	_ =	sdelay $0x3  }
0x96: {  	_ =	strace s2  }
0x97: {  	_ =	strace $0x8FFFFFFF  }
0x98: {  	s18 =	sld [smem:$0x3FDB];
	_ =	sdelay $0x1  }
0x99: {  	s19 =	simm.s32 $_scs_section_size  }
0x9a: {  	s4 =	simm.s32 $_size__tile_overlayer_lowered;
	s5 =	simm.s32 $_tile_overlayer_lowered  }
0x9b: {  	s22 =	simm.s32 $0x1BFF;
	s21 =	sshll.u32 s5, $0x1;
	s2 =	sadd.s32 s19, s18  }
0x9c: {  	s6 =	simm.s32 $0x0;
	s20 =	sshll.u32 s4, $0x1;
	s4 =	sadd.s32 s21, s2  }
0x9d: {  	[timem:s6], [sflag:s22] =	dma.local [hbm:s4], s20  }
0x9e: {  	_ =	swait.ge [sflag:s22], s20  }
0x9f: {  	s3 =	ssub.s32 $0x0, s20;
	[sflag:s22] =	ssyncset.done $0x0  }
0xa0: {  	[sflag:s22] =	ssyncadd.s32 s3;
	_ =	sdelay $0x1  }
0xa1: {  	s23 =	simm.s32 $0x1B8B  }
0xa2: {  	_ =	swait.ge [sflag:s23], $0x1  }
0xa3: {  	[sflag:s23] =	ssyncset.done $0x0  }
0xa4: {  	s25 =	simm.s32 $0x1B8E;
	s24 =	sld [smem:$0x3FFE];
	[sflag:s23] =	ssyncadd.s32 $0xFFFFFFFF  }
0xa5: {  	s26 =	simm.s32 $execute0_lowered;
	[smem:$0x3FD2] =	sst s25  }
0xa6: {  	s4 =	sshll.u32 s26, $0x1;
	_ =	strace $0x80000046;
	[dreg:$0x1] =	wrdreg $0xFFFFFFFF  }
0xa7: {  	s28 =	simm.s32 $_size_execute0_lowered;
	s2 =	sadd.s32 s2, s4;
	[dreg:$0x0] =	wrdreg $0x0  }
0xa8: {  	s4 =	sshll.u32 s28, $0x1;
	[dreg:$0x2] =	wrdreg s2  }
0xa9: {  	[dreg:$0x3] =	wrdreg s4  }
0xaa: {  	[dreg:$0x4] =	wrdreg $0xC0  }
0xab: {  	_ =	task [dreg:s6], $0x5FFFF  }
0xac: {  	[dreg:$0x1] =	wrdreg $0xFFFFFFFF  }
0xad: {  	[dreg:$0x0] =	wrdreg $0x60  }
0xae: {  	[dreg:$0x2] =	wrdreg s24  }
0xaf: {  	[dreg:$0x3] =	wrdreg $0x9  }
0xb0: {  	_ =	task.clear_ibuf [dreg:s6], $0x4FFFF;
	_ =	strace $0x90000046  }
0xb1: {  	s29 =	simm.s32 $0x9;
	_ =	strace $0x80000048  }
0xb2: {  	_ =	swait.ge [sflag:s29], $0x1  }
0xb3: {  	[sflag:s29] =	ssyncadd.s32 $0xFFFFFFFF  }
0xb4: {  	_ =	strace $0x90000048  }
0xb5: {  	_ =	sfence  }
0xb6: {  	s30 =	sld [smem:$0x0];
	_ =	sdelay $0x2  }
0xb7: {  	s31 =	sshll.u32 s1, $0xD;
	s1 =	sshrl.u32 s1, $0x2  }
0xb8: {  	s3 =	sand.u32 $0x4000, s31;
	s1 =	sadd.s32 s1, s30  }
0xb9: {  	s0 =	sor.u32 s3, s0;
	s1 =	sshll.u32 s1, $0x11  }
0xba: {  	s0 =	sor.u32 s1, s0  }
0xbb: {  	s0 =	sadd.s32 $0x8F2B, s0  }
0xbc: {  	[sflag:s0] =	ssyncadd.remote.s32 $0x1  }
0xbd: {  	_ =	sfence.sel $0xFFFF  }
0xbe: {  	[dreg:$0x0] =	wrdreg $0xFFFFFFFF;
	(pc) =	sbr.abs _section_cstart, $3  }
0xbf: {  	[dreg:$0x1] =	wrdreg $0xFFFFFFFF  }
0xc0: {  	_ =	task.clear_ibuf [dreg:s6], $0x2FFFF;
	_ =	strace $0x9FFFFFFF  }
0xc1: {  	(tm) =	ssettm $0x7FFFFFFF  }
tec
execute0_lowered:
.L_overlay_start_1:
0x0: {  	(tag) =	ssettag $0x1  }
0x1: {  	s3 =	rddreg [dreg:$0x0]  }
0x2: {  	s0 =	rddreg [dreg:$0x1];
	s1 =	stileid.u32  }
0x3: {  	s4 =	srdreg.scid;
	s5 =	smul.u32 $0x5000, s1  }
0x4: {  	s2 =	simm.s32 $0x0;
	s4 =	sand.u32 $0x1, s4;
	s29 =	smul.u32 $0x50000, s1  }
0x5: {  	[smem:$0x7FF] =	sst s2;
	s6 =	smul.u32 $0x2800, s4  }
0x6: {  	_ =	strace $0x80000047;
	s7 =	ssub.s32 $0x2, s4;
	s9 =	smul.u32 $0x28000, s4  }
0x7: {  	s8 =	sshrl.u32 s7, $0x1;
	s30 =	sadd.s32 s29, s3;
	s5 =	sadd.s32 s6, s5  }
0x8: {  	s31 =	ssub.s32 s7, s8;
	s7 =	simm.s32 $0x2;
	s5 =	sshrl.u32 s5, $0x3  }
0x9: {  	s8 =	simm.s32 $0x80;
	s4 =	smax.u32 s31, $0x1;
	s10 =	sadd.s32 s5, s3  }
0xa: {  	s3 =	sadd.s32 $0x6400, s3;
	s5 =	sadd.s32 s9, s30;
	s9 =	simm.s32 $0x1  }
0xb: {  	s5 =	sadd.s32 $0x90400, s5;
	s6 =	sadd.s32 $0x86400, s10;
	s10 =	simm.s32 $0x0  }
.LBB2_1:
0xc: {  	s11 =	sadd.s32 $0x0, s6  }
0xd: {  	[tilespmem:s2], [sflag:$0x2] =	stream.linear.gather [hbm4b:s11+s2], $0x80, $0x38;
	[tilespmem:$0x4080] =	vst v63  }
0xe: {  	_ =	swait.ge [sflag:s7], $0x80  }
0xf: {  	[sflag:s7] =	ssyncset.done $0x0  }
0x10: {  	[sflag:s7] =	ssyncadd.s32 $0xFFFFFF80  }
0x11: {  	[tilespmem:s8], [sflag:$0x1] =	stream.indirect.gather [hbm4b:s3+s8], $0x80, s2, s8, $0xb8;
	[tilespmem:$0x4080] =	vst v63  }
0x12: {  	_ =	swait.ge [sflag:s9], $0x4000  }
0x13: {  	[sflag:s9] =	ssyncset.done $0x0  }
0x14: {  	[sflag:s9] =	ssyncadd.s32 $0xFFFFC000  }
0x15: {  	[hbm4b:s5+s2] =	stream.linear.scatter [tilespmem:s8], [sflag:$0x2], $0x4000, $0x38;
	[tilespmem:$0x4080] =	vst v63  }
0x16: {  	s12 =	simm.s32 $0x10;
	_ =	swait.ge [sflag:s7], $0x4000  }
0x17: {  	s13 =	simm.s32 $0x20;
	s11 =	sadd.s32 $0x800, s5;
	[sflag:s7] =	ssyncset.done $0x0  }
.LBB2_2:
0x18: {  	s14 =	sadd.s32 s12, s6  }
0x19: {  	[sflag:s7] =	ssyncadd.s32 $0xFFFFC000;
	s12 =	smov.u32 s13;
	s15 =	sadd.s32 $0x10, s13  }
0x1a: {  	[tilespmem:s2], [sflag:$0x2] =	stream.linear.gather [hbm4b:s14+s2], $0x80, $0x38;
	[tilespmem:$0x4080] =	vst v63  }
0x1b: {  	p0 =	sne.s32 s13, $0x4F0;
	_ =	swait.ge [sflag:s7], $0x80  }
0x1c: {  	[sflag:s7] =	ssyncset.done $0x0  }
0x1d: {  	[sflag:s7] =	ssyncadd.s32 $0xFFFFFF80  }
0x1e: {  	[tilespmem:s8], [sflag:$0x1] =	stream.indirect.gather [hbm4b:s3+s8], $0x80, s2, s8, $0xb8;
	[tilespmem:$0x4080] =	vst v63  }
0x1f: {  	_ =	swait.ge [sflag:s9], $0x4000  }
.Ltmp0:
0x20: {  	[sflag:s9] =	ssyncset.done $0x0;
	(pc) =	sbr.rel @p0 .LBB2_2-.Ltmp0, $4  }
0x21: {  	[sflag:s9] =	ssyncadd.s32 $0xFFFFC000  }
0x22: {  	[hbm4b:s11+s2] =	stream.linear.scatter [tilespmem:s8], [sflag:$0x2], $0x4000, $0x38;
	[tilespmem:$0x4080] =	vst v63  }
0x23: {  	_ =	swait.ge [sflag:s7], $0x4000  }
0x24: {  	s13 =	smov.u32 s15;
	s11 =	sadd.s32 $0x800, s11;
	[sflag:s7] =	ssyncset.done $0x0  }
0x25: {  	s12 =	sadd.s32 s12, s6;
	[sflag:s7] =	ssyncadd.s32 $0xFFFFC000  }
0x26: {  	[tilespmem:s2], [sflag:$0x2] =	stream.linear.gather [hbm4b:s12+s2], $0x80, $0x38;
	[tilespmem:$0x4080] =	vst v63  }
0x27: {  	_ =	swait.ge [sflag:s7], $0x80  }
0x28: {  	[sflag:s7] =	ssyncset.done $0x0  }
0x29: {  	[sflag:s7] =	ssyncadd.s32 $0xFFFFFF80  }
0x2a: {  	[tilespmem:s8], [sflag:$0x1] =	stream.indirect.gather [hbm4b:s3+s8], $0x80, s2, s8, $0xb8;
	[tilespmem:$0x4080] =	vst v63  }
0x2b: {  	s10 =	sadd.s32 $0x1, s10;
	_ =	swait.ge [sflag:s9], $0x4000  }
0x2c: {  	p0 =	sne.s32 s10, s4;
	[sflag:s9] =	ssyncset.done $0x0  }
.Ltmp1:
0x2d: {  	[sflag:s9] =	ssyncadd.s32 $0xFFFFC000;
	(pc) =	sbr.rel @p0 .LBB2_1-.Ltmp1, $4  }
0x2e: {  	[hbm4b:s11+s2] =	stream.linear.scatter [tilespmem:s8], [sflag:$0x2], $0x4000, $0x38;
	[tilespmem:$0x4080] =	vst v63  }
0x2f: {  	_ =	swait.ge [sflag:s7], $0x4000  }
0x30: {  	[sflag:s7] =	ssyncset.done $0x0  }
0x31: {  	[sflag:s7] =	ssyncadd.s32 $0xFFFFC000  }
0x32: {  	_ =	sfence.sel $0x180000  }
0x33: {  	[bflag:$0x0] =	sbarrier.arrive $0xFFFF  }
0x34: {  	p0 =	sne.s32 s1, $0x0;
	_ =	strace $0x90000047  }
0x35: {  	s0 =	sadd.s32 @!p0 $0x100000, s0;
	[bflag:$0x2] =	sbarrier.arrive $0xFFFF  }
0x36: {  	[sflag:s0] =	ssyncadd.tile.s32 @!p0 $0x1;
	_ =	shalt  }
.Lfunc_end2:
_tile_overlayer_lowered:
.L_overlay_start_2:
0x37: {  	(tag) =	ssettag $0x2  }
0x38: {  	s0 =	rddreg [dreg:$0x0];
	s2 =	stileid.u32  }
0x39: {  	s1 =	rddreg [dreg:$0x1];
	p0 =	sne.s32 s2, $0x0  }
0x3a: {  	s3 =	rddreg [dreg:$0x2];
	[bflag:$0x3] =	sbarrier.arrive $0xFFFF;
	s2 =	simm.s32 @!p0 $0x1C02  }
0x3b: {  	[timem:s3], [sflag:s2] =	dma.local @!p0 [hbm:s0], s1  }
0x3c: {  	s0 =	simm.s32 @!p0 $0x2  }
0x3d: {  	_ =	swait.ge @!p0 [sflag:s0], s1  }
0x3e: {  	s1 =	ssub.s32 @!p0 $0x0, s1;
	[sflag:s0] =	ssyncset.done @!p0 $0x0  }
0x3f: {  	[sflag:s0] =	ssyncadd.s32 @!p0 s1  }
0x40: {  	[bflag:$0x3] =	sbarrier.arrive $0xFFFF  }
0x41: {  	_ =	shalt  }

// kernel: kernel.15.cloned.1.call-start
scs
__scs_entry_jumppad:
0x0: {  	(pc) =	sbr.rel $0x88, $3  }
0x1: {  	(tag) =	ssettag $0x0;
	lr =	simm.s32 $0x1  }
0x2: {  	[smem:$0x3F87] =	sst lr;
	_ =	strace $0xD0000000  }
0x3: {  	_ = 	snop  }
0x4: {  	_ = 	snop  }
0x5: {  	_ = 	snop  }
0x6: {  	_ = 	snop  }
0x7: {  	_ = 	snop  }
__scs_overlays_trampoline_lowered:
0x8: {  	[smem:$0x3F96] =	sst s0  }
0x9: {  	[smem:$0x3F97] =	sst s1  }
0xa: {  	[smem:$0x3F98] =	sst s2  }
0xb: {  	[smem:$0x3F99] =	sst s3  }
0xc: {  	[smem:$0x3F9A] =	sst s4  }
0xd: {  	[smem:$0x3F9B] =	sst s5  }
0xe: {  	[smem:$0x3F9C] =	sst s6  }
0xf: {  	[smem:$0x3F9D] =	sst s7  }
0x10: {  	[smem:$0x3F9E] =	sst s8  }
0x11: {  	[smem:$0x3F9F] =	sst s9;
	s0 =	simm.s32 @!p0 $0x0  }
0x12: {  	s1 =	sld [smem:$0x3F85];
	s0 =	simm.s32 @p0 $0x1  }
0x13: {  	[smem:$0x3FA0] =	sst s0;
	s0 =	simm.s32 @!p1 $0x0  }
0x14: {  	s2 =	sld [smem:$0x3F84];
	s0 =	simm.s32 @p1 $0x1  }
0x15: {  	[smem:$0x3FA1] =	sst s0;
	s0 =	simm.s32 @!p2 $0x0  }
0x16: {  	s3 =	sld [smem:$0x3FDB];
	s0 =	simm.s32 @p2 $0x1  }
0x17: {  	s4 =	simm.s32 $0x1BF5;
	[smem:$0x3FA3] =	sst s0  }
0x18: {  	s0 =	sld [smem:$0x3F86];
	_ =	swait.ge [sflag:s4], $0x0  }
0x19: {  	s7 =	sld [smem:$0x3F87]  }
0x1a: {  	s8 =	sadd.s32 $0xFFFFE003, lr  }
0x1b: {  	s9 =	sadd.s32 $0xFFFFFEF7, lr;
	s5 =	simm.s32 $0xFFFFFFFF;
	p2 =	slt.u32 s8, $0xFFFFF086  }
0x1c: {  	p1 =	slt.u32 s9, $0xF7A;
	s5 =	simm.s32 @!p2 $0x0  }
0x1d: {  	s5 =	simm.s32 @p1 $0x1;
	p0 =	seq.s32 s7, s2  }
0x1e: {  	s7 =	smul.u32 @!p0 $0xF7A, s2;
	p2 =	seq.s32 @!p0 s5, $0x0  }
0x1f: {  	s9 =	smul.u32 $0xF7A, s1;
	s8 =	simm.s32 @!p0 $0x1BF5;
	p2 =	por !p2, p0  }
0x20: {  	[sflag:s8] =	ssyncset.s32 @!p0 $0xFFFFF086;
	s6 =	sadd.s32 @!p0 s3, s7;
	s7 =	simm.s32 @!p0 $0x108  }
0x21: {  	s3 =	sadd.s32 s3, s9;
	s6 =	sadd.s32 @!p0 $0x88, s6;
	s7 =	simm.s32 @p2 $0x1082  }
0x22: {  	[simem:s7], [sflag:s8] =	dma.local @!p0 [hbm:s6], $0xF7A  }
0x23: {  	s9 =	sor.u32 $0xD0000000, s2;
	s6 =	simm.s32 $0x108;
	_ =	swait.ge @!p0 [sflag:s8], $0x0  }
0x24: {  	s3 =	sadd.s32 $0x88, s3;
	s6 =	simm.s32 @!p1 $0x1082;
	[sflag:s4] =	ssyncset.s32 $0xFFFFF086  }
0x25: {  	[simem:s6], [sflag:s4] =	dma.local [hbm:s3], $0xF7A  }
0x26: {  	[smem:$0x3F87] =	sst s1;
	(tag) =	ssettag s2;
	_ =	strace s9  }
0x27: {  	s1 =	sld [smem:$0x3F97]  }
0x28: {  	s2 =	sld [smem:$0x3F98]  }
0x29: {  	s4 =	sld [smem:$0x3F9A]  }
0x2a: {  	p0 =	seq.s32 s5, $0x0;
	s5 =	sld [smem:$0x3F9B]  }
0x2b: {  	s6 =	sld [smem:$0x3F9C]  }
0x2c: {  	s7 =	sld [smem:$0x3F9D]  }
0x2d: {  	s3 =	simm.s32 $0x108;
	s8 =	sld [smem:$0x3F9E]  }
0x2e: {  	s3 =	simm.s32 @!p0 $0x1082;
	s9 =	sld [smem:$0x3F9F]  }
0x2f: {  	lr =	sadd.s32 s0, s3;
	s0 =	sld [smem:$0x3F96]  }
0x30: {  	s3 =	sld [smem:$0x3F99]  }
0x31: {  	[smem:$0x3FA2] =	sst s10  }
0x32: {  	s10 =	sld [smem:$0x3FA0];
	_ =	sdelay $0x3  }
0x33: {  	p0 =	seq.s32 s10, $0x1;
	s10 =	sld [smem:$0x3FA2];
	_ =	sdelay $0x3  }
0x34: {  	[smem:$0x3FA2] =	sst s10  }
0x35: {  	s10 =	sld [smem:$0x3FA1];
	_ =	sdelay $0x3  }
0x36: {  	p1 =	seq.s32 s10, $0x1;
	s10 =	sld [smem:$0x3FA2];
	_ =	sdelay $0x3  }
0x37: {  	[smem:$0x3FA2] =	sst s10  }
0x38: {  	s10 =	sld [smem:$0x3FA3]  }
0x39: {  	_ = 	snop;
	(pc) =	sbr.ind lr, $3  }
0x3a: {  	_ = 	snop  }
0x3b: {  	_ = 	snop  }
0x3c: {  	p2 =	seq.s32 s10, $0x1;
	s10 =	sld [smem:$0x3FA2]  }
0x3d: {  	_ =	shalt  }
0x3e: {  	_ =	shalt  }
0x3f: {  	_ =	shalt  }
0x40: {  	_ =	shalt  }
0x41: {  	_ =	shalt  }
0x42: {  	_ =	shalt  }
0x43: {  	_ =	shalt  }
0x44: {  	_ =	shalt  }
0x45: {  	_ =	shalt  }
0x46: {  	_ =	shalt  }
0x47: {  	_ =	shalt  }
0x48: {  	_ =	shalt  }
0x49: {  	_ =	shalt  }
0x4a: {  	_ =	shalt  }
0x4b: {  	_ =	shalt  }
0x4c: {  	_ =	shalt  }
0x4d: {  	_ =	shalt  }
0x4e: {  	_ =	shalt  }
0x4f: {  	_ =	shalt  }
0x50: {  	_ =	shalt  }
0x51: {  	_ =	shalt  }
0x52: {  	_ =	shalt  }
0x53: {  	_ =	shalt  }
0x54: {  	_ =	shalt  }
0x55: {  	_ =	shalt  }
0x56: {  	_ =	shalt  }
0x57: {  	_ =	shalt  }
0x58: {  	_ =	shalt  }
0x59: {  	_ =	shalt  }
0x5a: {  	_ =	shalt  }
0x5b: {  	_ =	shalt  }
0x5c: {  	_ =	shalt  }
0x5d: {  	_ =	shalt  }
0x5e: {  	_ =	shalt  }
0x5f: {  	_ =	shalt  }
0x60: {  	_ =	shalt  }
0x61: {  	_ =	shalt  }
0x62: {  	_ =	shalt  }
0x63: {  	_ =	shalt  }
0x64: {  	_ =	shalt  }
0x65: {  	_ =	shalt  }
0x66: {  	_ =	shalt  }
0x67: {  	_ =	shalt  }
0x68: {  	_ =	shalt  }
0x69: {  	_ =	shalt  }
0x6a: {  	_ =	shalt  }
0x6b: {  	_ =	shalt  }
0x6c: {  	_ =	shalt  }
0x6d: {  	_ =	shalt  }
0x6e: {  	_ =	shalt  }
0x6f: {  	_ =	shalt  }
0x70: {  	_ =	shalt  }
0x71: {  	_ =	shalt  }
0x72: {  	_ =	shalt  }
0x73: {  	_ =	shalt  }
0x74: {  	_ =	shalt  }
0x75: {  	_ =	shalt  }
0x76: {  	_ =	shalt  }
0x77: {  	_ =	shalt  }
0x78: {  	_ =	shalt  }
0x79: {  	_ =	shalt  }
0x7a: {  	_ =	shalt  }
0x7b: {  	_ =	shalt  }
0x7c: {  	_ =	shalt  }
0x7d: {  	_ =	shalt  }
0x7e: {  	_ =	shalt  }
0x7f: {  	_ =	shalt  }
0x80: {  	_ =	shalt  }
0x81: {  	_ =	shalt  }
0x82: {  	_ =	shalt  }
0x83: {  	_ =	shalt  }
0x84: {  	_ =	shalt  }
0x85: {  	_ =	shalt  }
0x86: {  	_ =	shalt  }
0x87: {  	_ =	shalt  }
.Lfunc_end0:
.L_simem_size_0:
called_computation.1_lowered:
.L_overlay_start_0:
0x88: {  	s2 =	sld [smem:$0x3FD9]  }
0x89: {  	s3 =	sld [smem:$0x3FFE];
	_ =	sdelay $0x1  }
0x8a: {  	s1 =	srdreg.scid  }
0x8b: {  	s0 =	sand.u32 $0x1, s1  }
0x8c: {  	s16 =	sshll.u32 s0, $0xA;
	s2 =	sadd.s32 s3, s2  }
0x8d: {  	s2 =	sadd.s32 s2, s16  }
0x8e: {  	[smem:$0x3FAE] =	sst s2  }
0x8f: {  	_ = 	snop  }
0x90: {  	(tm) =	ssettm $0x1  }
0x91: {  	s17 =	sld [smem:$0x3FFB];
	_ =	sdelay $0x3  }
0x92: {  	_ =	strace s17  }
0x93: {  	s2 =	sld [smem:$0x3FFC];
	_ =	sdelay $0x3  }
0x94: {  	_ =	strace s2  }
0x95: {  	s2 =	sld [smem:$0x3FFD];
	_ =	sdelay $0x3  }
0x96: {  	_ =	strace s2  }
0x97: {  	_ =	strace $0x8FFFFFFF  }
0x98: {  	s18 =	sld [smem:$0x3FDB];
	_ =	sdelay $0x1  }
0x99: {  	s19 =	simm.s32 $_scs_section_size  }
0x9a: {  	s4 =	simm.s32 $_size__tile_overlayer_lowered;
	s5 =	simm.s32 $_tile_overlayer_lowered  }
0x9b: {  	s22 =	simm.s32 $0x1BFF;
	s21 =	sshll.u32 s5, $0x1;
	s2 =	sadd.s32 s19, s18  }
0x9c: {  	s6 =	simm.s32 $0x0;
	s20 =	sshll.u32 s4, $0x1;
	s4 =	sadd.s32 s21, s2  }
0x9d: {  	[timem:s6], [sflag:s22] =	dma.local [hbm:s4], s20  }
0x9e: {  	_ =	swait.ge [sflag:s22], s20  }
0x9f: {  	s3 =	ssub.s32 $0x0, s20;
	[sflag:s22] =	ssyncset.done $0x0  }
0xa0: {  	[sflag:s22] =	ssyncadd.s32 s3;
	_ =	sdelay $0x1  }
0xa1: {  	s23 =	simm.s32 $0x1B8B  }
0xa2: {  	_ =	swait.ge [sflag:s23], $0x1  }
0xa3: {  	[sflag:s23] =	ssyncset.done $0x0  }
0xa4: {  	s25 =	simm.s32 $0x1B8E;
	s24 =	sld [smem:$0x3FFE];
	[sflag:s23] =	ssyncadd.s32 $0xFFFFFFFF  }
0xa5: {  	s26 =	simm.s32 $execute0_lowered;
	[smem:$0x3FD2] =	sst s25  }
0xa6: {  	s4 =	sshll.u32 s26, $0x1;
	_ =	strace $0x80000049;
	[dreg:$0x1] =	wrdreg $0xFFFFFFFF  }
0xa7: {  	s28 =	simm.s32 $_size_execute0_lowered;
	s2 =	sadd.s32 s2, s4;
	[dreg:$0x0] =	wrdreg $0x0  }
0xa8: {  	s4 =	sshll.u32 s28, $0x1;
	[dreg:$0x2] =	wrdreg s2  }
0xa9: {  	[dreg:$0x3] =	wrdreg s4  }
0xaa: {  	[dreg:$0x4] =	wrdreg $0xC0  }
0xab: {  	_ =	task [dreg:s6], $0x5FFFF  }
0xac: {  	[dreg:$0x1] =	wrdreg $0xFFFFFFFF  }
0xad: {  	[dreg:$0x0] =	wrdreg $0x60  }
0xae: {  	[dreg:$0x2] =	wrdreg s24  }
0xaf: {  	[dreg:$0x3] =	wrdreg $0x9  }
0xb0: {  	_ =	task.clear_ibuf [dreg:s6], $0x4FFFF;
	_ =	strace $0x90000049  }
0xb1: {  	s29 =	simm.s32 $0x9;
	_ =	strace $0x8000004B  }
0xb2: {  	_ =	swait.ge [sflag:s29], $0x1  }
0xb3: {  	[sflag:s29] =	ssyncadd.s32 $0xFFFFFFFF  }
0xb4: {  	_ =	strace $0x9000004B  }
0xb5: {  	_ =	sfence  }
0xb6: {  	s30 =	sld [smem:$0x0];
	_ =	sdelay $0x2  }
0xb7: {  	s31 =	sshll.u32 s1, $0xD;
	s1 =	sshrl.u32 s1, $0x2  }
0xb8: {  	s3 =	sand.u32 $0x4000, s31;
	s1 =	sadd.s32 s1, s30  }
0xb9: {  	s0 =	sor.u32 s3, s0;
	s1 =	sshll.u32 s1, $0x11  }
0xba: {  	s0 =	sor.u32 s1, s0  }
0xbb: {  	s0 =	sadd.s32 $0x8F2B, s0  }
0xbc: {  	[sflag:s0] =	ssyncadd.remote.s32 $0x1  }
0xbd: {  	_ =	sfence.sel $0xFFFF  }
0xbe: {  	[dreg:$0x0] =	wrdreg $0xFFFFFFFF;
	(pc) =	sbr.abs _section_cstart, $3  }
0xbf: {  	[dreg:$0x1] =	wrdreg $0xFFFFFFFF  }
0xc0: {  	_ =	task.clear_ibuf [dreg:s6], $0x2FFFF;
	_ =	strace $0x9FFFFFFF  }
0xc1: {  	(tm) =	ssettm $0x7FFFFFFF  }
tec
execute0_lowered:
.L_overlay_start_1:
0x0: {  	(tag) =	ssettag $0x1  }
0x1: {  	s3 =	rddreg [dreg:$0x0]  }
0x2: {  	s0 =	rddreg [dreg:$0x1];
	s1 =	stileid.u32  }
0x3: {  	s4 =	srdreg.scid;
	s5 =	smul.u32 $0x5000, s1  }
0x4: {  	s2 =	simm.s32 $0x0;
	s4 =	sand.u32 $0x1, s4;
	s29 =	smul.u32 $0x50000, s1  }
0x5: {  	[smem:$0x7FF] =	sst s2;
	s6 =	smul.u32 $0x2800, s4  }
0x6: {  	_ =	strace $0x8000004A;
	s7 =	ssub.s32 $0x2, s4;
	s9 =	smul.u32 $0x28000, s4  }
0x7: {  	s8 =	sshrl.u32 s7, $0x1;
	s30 =	sadd.s32 s29, s3;
	s5 =	sadd.s32 s6, s5  }
0x8: {  	s31 =	ssub.s32 s7, s8;
	s7 =	simm.s32 $0x2;
	s5 =	sshrl.u32 s5, $0x3  }
0x9: {  	s8 =	simm.s32 $0x80;
	s4 =	smax.u32 s31, $0x1;
	s10 =	sadd.s32 s5, s3  }
0xa: {  	s3 =	sadd.s32 $0x86400, s3;
	s5 =	sadd.s32 s9, s30;
	s9 =	simm.s32 $0x1  }
0xb: {  	s5 =	sadd.s32 $0xD0400, s5;
	s6 =	sadd.s32 $0xC6400, s10;
	s10 =	simm.s32 $0x0  }
.LBB2_1:
0xc: {  	s11 =	sadd.s32 $0x0, s6  }
0xd: {  	[tilespmem:s2], [sflag:$0x2] =	stream.linear.gather [hbm4b:s11+s2], $0x80, $0x38;
	[tilespmem:$0x4080] =	vst v63  }
0xe: {  	_ =	swait.ge [sflag:s7], $0x80  }
0xf: {  	[sflag:s7] =	ssyncset.done $0x0  }
0x10: {  	[sflag:s7] =	ssyncadd.s32 $0xFFFFFF80  }
0x11: {  	[tilespmem:s8], [sflag:$0x1] =	stream.indirect.gather [hbm4b:s3+s8], $0x80, s2, s8, $0xb8;
	[tilespmem:$0x4080] =	vst v63  }
0x12: {  	_ =	swait.ge [sflag:s9], $0x4000  }
0x13: {  	[sflag:s9] =	ssyncset.done $0x0  }
0x14: {  	[sflag:s9] =	ssyncadd.s32 $0xFFFFC000  }
0x15: {  	[hbm4b:s5+s2] =	stream.linear.scatter [tilespmem:s8], [sflag:$0x2], $0x4000, $0x38;
	[tilespmem:$0x4080] =	vst v63  }
0x16: {  	s12 =	simm.s32 $0x10;
	_ =	swait.ge [sflag:s7], $0x4000  }
0x17: {  	s13 =	simm.s32 $0x20;
	s11 =	sadd.s32 $0x800, s5;
	[sflag:s7] =	ssyncset.done $0x0  }
.LBB2_2:
0x18: {  	s14 =	sadd.s32 s12, s6  }
0x19: {  	[sflag:s7] =	ssyncadd.s32 $0xFFFFC000;
	s12 =	smov.u32 s13;
	s15 =	sadd.s32 $0x10, s13  }
0x1a: {  	[tilespmem:s2], [sflag:$0x2] =	stream.linear.gather [hbm4b:s14+s2], $0x80, $0x38;
	[tilespmem:$0x4080] =	vst v63  }
0x1b: {  	p0 =	sne.s32 s13, $0x4F0;
	_ =	swait.ge [sflag:s7], $0x80  }
0x1c: {  	[sflag:s7] =	ssyncset.done $0x0  }
0x1d: {  	[sflag:s7] =	ssyncadd.s32 $0xFFFFFF80  }
0x1e: {  	[tilespmem:s8], [sflag:$0x1] =	stream.indirect.gather [hbm4b:s3+s8], $0x80, s2, s8, $0xb8;
	[tilespmem:$0x4080] =	vst v63  }
0x1f: {  	_ =	swait.ge [sflag:s9], $0x4000  }
.Ltmp0:
0x20: {  	[sflag:s9] =	ssyncset.done $0x0;
	(pc) =	sbr.rel @p0 .LBB2_2-.Ltmp0, $4  }
0x21: {  	[sflag:s9] =	ssyncadd.s32 $0xFFFFC000  }
0x22: {  	[hbm4b:s11+s2] =	stream.linear.scatter [tilespmem:s8], [sflag:$0x2], $0x4000, $0x38;
	[tilespmem:$0x4080] =	vst v63  }
0x23: {  	_ =	swait.ge [sflag:s7], $0x4000  }
0x24: {  	s13 =	smov.u32 s15;
	s11 =	sadd.s32 $0x800, s11;
	[sflag:s7] =	ssyncset.done $0x0  }
0x25: {  	s12 =	sadd.s32 s12, s6;
	[sflag:s7] =	ssyncadd.s32 $0xFFFFC000  }
0x26: {  	[tilespmem:s2], [sflag:$0x2] =	stream.linear.gather [hbm4b:s12+s2], $0x80, $0x38;
	[tilespmem:$0x4080] =	vst v63  }
0x27: {  	_ =	swait.ge [sflag:s7], $0x80  }
0x28: {  	[sflag:s7] =	ssyncset.done $0x0  }
0x29: {  	[sflag:s7] =	ssyncadd.s32 $0xFFFFFF80  }
0x2a: {  	[tilespmem:s8], [sflag:$0x1] =	stream.indirect.gather [hbm4b:s3+s8], $0x80, s2, s8, $0xb8;
	[tilespmem:$0x4080] =	vst v63  }
0x2b: {  	s10 =	sadd.s32 $0x1, s10;
	_ =	swait.ge [sflag:s9], $0x4000  }
0x2c: {  	p0 =	sne.s32 s10, s4;
	[sflag:s9] =	ssyncset.done $0x0  }
.Ltmp1:
0x2d: {  	[sflag:s9] =	ssyncadd.s32 $0xFFFFC000;
	(pc) =	sbr.rel @p0 .LBB2_1-.Ltmp1, $4  }
0x2e: {  	[hbm4b:s11+s2] =	stream.linear.scatter [tilespmem:s8], [sflag:$0x2], $0x4000, $0x38;
	[tilespmem:$0x4080] =	vst v63  }
0x2f: {  	_ =	swait.ge [sflag:s7], $0x4000  }
0x30: {  	[sflag:s7] =	ssyncset.done $0x0  }
0x31: {  	[sflag:s7] =	ssyncadd.s32 $0xFFFFC000  }
0x32: {  	_ =	sfence.sel $0x180000  }
0x33: {  	[bflag:$0x0] =	sbarrier.arrive $0xFFFF  }
0x34: {  	p0 =	sne.s32 s1, $0x0;
	_ =	strace $0x9000004A  }
0x35: {  	s0 =	sadd.s32 @!p0 $0x100000, s0;
	[bflag:$0x2] =	sbarrier.arrive $0xFFFF  }
0x36: {  	[sflag:s0] =	ssyncadd.tile.s32 @!p0 $0x1;
	_ =	shalt  }
.Lfunc_end2:
_tile_overlayer_lowered:
.L_overlay_start_2:
0x37: {  	(tag) =	ssettag $0x2  }
0x38: {  	s0 =	rddreg [dreg:$0x0];
	s2 =	stileid.u32  }
0x39: {  	s1 =	rddreg [dreg:$0x1];
	p0 =	sne.s32 s2, $0x0  }
0x3a: {  	s3 =	rddreg [dreg:$0x2];
	[bflag:$0x3] =	sbarrier.arrive $0xFFFF;
	s2 =	simm.s32 @!p0 $0x1C02  }
0x3b: {  	[timem:s3], [sflag:s2] =	dma.local @!p0 [hbm:s0], s1  }
0x3c: {  	s0 =	simm.s32 @!p0 $0x2  }
0x3d: {  	_ =	swait.ge @!p0 [sflag:s0], s1  }
0x3e: {  	s1 =	ssub.s32 @!p0 $0x0, s1;
	[sflag:s0] =	ssyncset.done @!p0 $0x0  }
0x3f: {  	[sflag:s0] =	ssyncadd.s32 @!p0 s1  }
0x40: {  	[bflag:$0x3] =	sbarrier.arrive $0xFFFF  }
0x41: {  	_ =	shalt  }

// kernel: kernel.18.cloned.1.call-start
scs
__scs_entry_jumppad:
0x0: {  	(pc) =	sbr.rel $0x88, $3  }
0x1: {  	(tag) =	ssettag $0x0;
	lr =	simm.s32 $0x1  }
0x2: {  	[smem:$0x3F87] =	sst lr;
	_ =	strace $0xD0000000  }
0x3: {  	_ = 	snop  }
0x4: {  	_ = 	snop  }
0x5: {  	_ = 	snop  }
0x6: {  	_ = 	snop  }
0x7: {  	_ = 	snop  }
__scs_overlays_trampoline_lowered:
0x8: {  	[smem:$0x3F96] =	sst s0  }
0x9: {  	[smem:$0x3F97] =	sst s1  }
0xa: {  	[smem:$0x3F98] =	sst s2  }
0xb: {  	[smem:$0x3F99] =	sst s3  }
0xc: {  	[smem:$0x3F9A] =	sst s4  }
0xd: {  	[smem:$0x3F9B] =	sst s5  }
0xe: {  	[smem:$0x3F9C] =	sst s6  }
0xf: {  	[smem:$0x3F9D] =	sst s7  }
0x10: {  	[smem:$0x3F9E] =	sst s8  }
0x11: {  	[smem:$0x3F9F] =	sst s9;
	s0 =	simm.s32 @!p0 $0x0  }
0x12: {  	s1 =	sld [smem:$0x3F85];
	s0 =	simm.s32 @p0 $0x1  }
0x13: {  	[smem:$0x3FA0] =	sst s0;
	s0 =	simm.s32 @!p1 $0x0  }
0x14: {  	s2 =	sld [smem:$0x3F84];
	s0 =	simm.s32 @p1 $0x1  }
0x15: {  	[smem:$0x3FA1] =	sst s0;
	s0 =	simm.s32 @!p2 $0x0  }
0x16: {  	s3 =	sld [smem:$0x3FDB];
	s0 =	simm.s32 @p2 $0x1  }
0x17: {  	s4 =	simm.s32 $0x1BF5;
	[smem:$0x3FA3] =	sst s0  }
0x18: {  	s0 =	sld [smem:$0x3F86];
	_ =	swait.ge [sflag:s4], $0x0  }
0x19: {  	s7 =	sld [smem:$0x3F87]  }
0x1a: {  	s8 =	sadd.s32 $0xFFFFE003, lr  }
0x1b: {  	s9 =	sadd.s32 $0xFFFFFEF7, lr;
	s5 =	simm.s32 $0xFFFFFFFF;
	p2 =	slt.u32 s8, $0xFFFFF086  }
0x1c: {  	p1 =	slt.u32 s9, $0xF7A;
	s5 =	simm.s32 @!p2 $0x0  }
0x1d: {  	s5 =	simm.s32 @p1 $0x1;
	p0 =	seq.s32 s7, s2  }
0x1e: {  	s7 =	smul.u32 @!p0 $0xF7A, s2;
	p2 =	seq.s32 @!p0 s5, $0x0  }
0x1f: {  	s9 =	smul.u32 $0xF7A, s1;
	s8 =	simm.s32 @!p0 $0x1BF5;
	p2 =	por !p2, p0  }
0x20: {  	[sflag:s8] =	ssyncset.s32 @!p0 $0xFFFFF086;
	s6 =	sadd.s32 @!p0 s3, s7;
	s7 =	simm.s32 @!p0 $0x108  }
0x21: {  	s3 =	sadd.s32 s3, s9;
	s6 =	sadd.s32 @!p0 $0x88, s6;
	s7 =	simm.s32 @p2 $0x1082  }
0x22: {  	[simem:s7], [sflag:s8] =	dma.local @!p0 [hbm:s6], $0xF7A  }
0x23: {  	s9 =	sor.u32 $0xD0000000, s2;
	s6 =	simm.s32 $0x108;
	_ =	swait.ge @!p0 [sflag:s8], $0x0  }
0x24: {  	s3 =	sadd.s32 $0x88, s3;
	s6 =	simm.s32 @!p1 $0x1082;
	[sflag:s4] =	ssyncset.s32 $0xFFFFF086  }
0x25: {  	[simem:s6], [sflag:s4] =	dma.local [hbm:s3], $0xF7A  }
0x26: {  	[smem:$0x3F87] =	sst s1;
	(tag) =	ssettag s2;
	_ =	strace s9  }
0x27: {  	s1 =	sld [smem:$0x3F97]  }
0x28: {  	s2 =	sld [smem:$0x3F98]  }
0x29: {  	s4 =	sld [smem:$0x3F9A]  }
0x2a: {  	p0 =	seq.s32 s5, $0x0;
	s5 =	sld [smem:$0x3F9B]  }
0x2b: {  	s6 =	sld [smem:$0x3F9C]  }
0x2c: {  	s7 =	sld [smem:$0x3F9D]  }
0x2d: {  	s3 =	simm.s32 $0x108;
	s8 =	sld [smem:$0x3F9E]  }
0x2e: {  	s3 =	simm.s32 @!p0 $0x1082;
	s9 =	sld [smem:$0x3F9F]  }
0x2f: {  	lr =	sadd.s32 s0, s3;
	s0 =	sld [smem:$0x3F96]  }
0x30: {  	s3 =	sld [smem:$0x3F99]  }
0x31: {  	[smem:$0x3FA2] =	sst s10  }
0x32: {  	s10 =	sld [smem:$0x3FA0];
	_ =	sdelay $0x3  }
0x33: {  	p0 =	seq.s32 s10, $0x1;
	s10 =	sld [smem:$0x3FA2];
	_ =	sdelay $0x3  }
0x34: {  	[smem:$0x3FA2] =	sst s10  }
0x35: {  	s10 =	sld [smem:$0x3FA1];
	_ =	sdelay $0x3  }
0x36: {  	p1 =	seq.s32 s10, $0x1;
	s10 =	sld [smem:$0x3FA2];
	_ =	sdelay $0x3  }
0x37: {  	[smem:$0x3FA2] =	sst s10  }
0x38: {  	s10 =	sld [smem:$0x3FA3]  }
0x39: {  	_ = 	snop;
	(pc) =	sbr.ind lr, $3  }
0x3a: {  	_ = 	snop  }
0x3b: {  	_ = 	snop  }
0x3c: {  	p2 =	seq.s32 s10, $0x1;
	s10 =	sld [smem:$0x3FA2]  }
0x3d: {  	_ =	shalt  }
0x3e: {  	_ =	shalt  }
0x3f: {  	_ =	shalt  }
0x40: {  	_ =	shalt  }
0x41: {  	_ =	shalt  }
0x42: {  	_ =	shalt  }
0x43: {  	_ =	shalt  }
0x44: {  	_ =	shalt  }
0x45: {  	_ =	shalt  }
0x46: {  	_ =	shalt  }
0x47: {  	_ =	shalt  }
0x48: {  	_ =	shalt  }
0x49: {  	_ =	shalt  }
0x4a: {  	_ =	shalt  }
0x4b: {  	_ =	shalt  }
0x4c: {  	_ =	shalt  }
0x4d: {  	_ =	shalt  }
0x4e: {  	_ =	shalt  }
0x4f: {  	_ =	shalt  }
0x50: {  	_ =	shalt  }
0x51: {  	_ =	shalt  }
0x52: {  	_ =	shalt  }
0x53: {  	_ =	shalt  }
0x54: {  	_ =	shalt  }
0x55: {  	_ =	shalt  }
0x56: {  	_ =	shalt  }
0x57: {  	_ =	shalt  }
0x58: {  	_ =	shalt  }
0x59: {  	_ =	shalt  }
0x5a: {  	_ =	shalt  }
0x5b: {  	_ =	shalt  }
0x5c: {  	_ =	shalt  }
0x5d: {  	_ =	shalt  }
0x5e: {  	_ =	shalt  }
0x5f: {  	_ =	shalt  }
0x60: {  	_ =	shalt  }
0x61: {  	_ =	shalt  }
0x62: {  	_ =	shalt  }
0x63: {  	_ =	shalt  }
0x64: {  	_ =	shalt  }
0x65: {  	_ =	shalt  }
0x66: {  	_ =	shalt  }
0x67: {  	_ =	shalt  }
0x68: {  	_ =	shalt  }
0x69: {  	_ =	shalt  }
0x6a: {  	_ =	shalt  }
0x6b: {  	_ =	shalt  }
0x6c: {  	_ =	shalt  }
0x6d: {  	_ =	shalt  }
0x6e: {  	_ =	shalt  }
0x6f: {  	_ =	shalt  }
0x70: {  	_ =	shalt  }
0x71: {  	_ =	shalt  }
0x72: {  	_ =	shalt  }
0x73: {  	_ =	shalt  }
0x74: {  	_ =	shalt  }
0x75: {  	_ =	shalt  }
0x76: {  	_ =	shalt  }
0x77: {  	_ =	shalt  }
0x78: {  	_ =	shalt  }
0x79: {  	_ =	shalt  }
0x7a: {  	_ =	shalt  }
0x7b: {  	_ =	shalt  }
0x7c: {  	_ =	shalt  }
0x7d: {  	_ =	shalt  }
0x7e: {  	_ =	shalt  }
0x7f: {  	_ =	shalt  }
0x80: {  	_ =	shalt  }
0x81: {  	_ =	shalt  }
0x82: {  	_ =	shalt  }
0x83: {  	_ =	shalt  }
0x84: {  	_ =	shalt  }
0x85: {  	_ =	shalt  }
0x86: {  	_ =	shalt  }
0x87: {  	_ =	shalt  }
.Lfunc_end0:
.L_simem_size_0:
called_computation.2_lowered:
.L_overlay_start_0:
0x88: {  	s2 =	sld [smem:$0x3FD9]  }
0x89: {  	s3 =	sld [smem:$0x3FFE];
	_ =	sdelay $0x1  }
0x8a: {  	s1 =	srdreg.scid  }
0x8b: {  	s0 =	sand.u32 $0x1, s1  }
0x8c: {  	s16 =	sshll.u32 s0, $0xA;
	s2 =	sadd.s32 s3, s2  }
0x8d: {  	s2 =	sadd.s32 s2, s16  }
0x8e: {  	[smem:$0x3FAE] =	sst s2  }
0x8f: {  	_ = 	snop  }
0x90: {  	(tm) =	ssettm $0x1  }
0x91: {  	s17 =	sld [smem:$0x3FFB];
	_ =	sdelay $0x3  }
0x92: {  	_ =	strace s17  }
0x93: {  	s2 =	sld [smem:$0x3FFC];
	_ =	sdelay $0x3  }
0x94: {  	_ =	strace s2  }
0x95: {  	s2 =	sld [smem:$0x3FFD];
	_ =	sdelay $0x3  }
0x96: {  	_ =	strace s2  }
0x97: {  	_ =	strace $0x8FFFFFFF  }
0x98: {  	s18 =	sld [smem:$0x3FDB];
	_ =	sdelay $0x1  }
0x99: {  	s19 =	simm.s32 $_scs_section_size  }
0x9a: {  	s4 =	simm.s32 $_size__tile_overlayer_lowered;
	s5 =	simm.s32 $_tile_overlayer_lowered  }
0x9b: {  	s22 =	simm.s32 $0x1BFF;
	s21 =	sshll.u32 s5, $0x1;
	s2 =	sadd.s32 s19, s18  }
0x9c: {  	s6 =	simm.s32 $0x0;
	s20 =	sshll.u32 s4, $0x1;
	s4 =	sadd.s32 s21, s2  }
0x9d: {  	[timem:s6], [sflag:s22] =	dma.local [hbm:s4], s20  }
0x9e: {  	_ =	swait.ge [sflag:s22], s20  }
0x9f: {  	s3 =	ssub.s32 $0x0, s20;
	[sflag:s22] =	ssyncset.done $0x0  }
0xa0: {  	[sflag:s22] =	ssyncadd.s32 s3;
	_ =	sdelay $0x1  }
0xa1: {  	s23 =	simm.s32 $0x1B8B  }
0xa2: {  	_ =	swait.ge [sflag:s23], $0x1  }
0xa3: {  	[sflag:s23] =	ssyncset.done $0x0  }
0xa4: {  	s25 =	simm.s32 $0x1B8E;
	s24 =	sld [smem:$0x3FFE];
	[sflag:s23] =	ssyncadd.s32 $0xFFFFFFFF  }
0xa5: {  	s26 =	simm.s32 $execute0_lowered;
	[smem:$0x3FD2] =	sst s25  }
0xa6: {  	s4 =	sshll.u32 s26, $0x1;
	_ =	strace $0x8000004C;
	[dreg:$0x1] =	wrdreg $0xFFFFFFFF  }
0xa7: {  	s28 =	simm.s32 $_size_execute0_lowered;
	s2 =	sadd.s32 s2, s4;
	[dreg:$0x0] =	wrdreg $0x0  }
0xa8: {  	s4 =	sshll.u32 s28, $0x1;
	[dreg:$0x2] =	wrdreg s2  }
0xa9: {  	[dreg:$0x3] =	wrdreg s4  }
0xaa: {  	[dreg:$0x4] =	wrdreg $0xC0  }
0xab: {  	_ =	task [dreg:s6], $0x5FFFF  }
0xac: {  	[dreg:$0x1] =	wrdreg $0xFFFFFFFF  }
0xad: {  	[dreg:$0x0] =	wrdreg $0x60  }
0xae: {  	[dreg:$0x2] =	wrdreg s24  }
0xaf: {  	[dreg:$0x3] =	wrdreg $0x9  }
0xb0: {  	_ =	task.clear_ibuf [dreg:s6], $0x4FFFF;
	_ =	strace $0x9000004C  }
0xb1: {  	s29 =	simm.s32 $0x9;
	_ =	strace $0x8000004E  }
0xb2: {  	_ =	swait.ge [sflag:s29], $0x1  }
0xb3: {  	[sflag:s29] =	ssyncadd.s32 $0xFFFFFFFF  }
0xb4: {  	_ =	strace $0x9000004E  }
0xb5: {  	_ =	sfence  }
0xb6: {  	s30 =	sld [smem:$0x0];
	_ =	sdelay $0x2  }
0xb7: {  	s31 =	sshll.u32 s1, $0xD;
	s1 =	sshrl.u32 s1, $0x2  }
0xb8: {  	s3 =	sand.u32 $0x4000, s31;
	s1 =	sadd.s32 s1, s30  }
0xb9: {  	s0 =	sor.u32 s3, s0;
	s1 =	sshll.u32 s1, $0x11  }
0xba: {  	s0 =	sor.u32 s1, s0  }
0xbb: {  	s0 =	sadd.s32 $0x8F2B, s0  }
0xbc: {  	[sflag:s0] =	ssyncadd.remote.s32 $0x1  }
0xbd: {  	_ =	sfence.sel $0xFFFF  }
0xbe: {  	[dreg:$0x0] =	wrdreg $0xFFFFFFFF;
	(pc) =	sbr.abs _section_cstart, $3  }
0xbf: {  	[dreg:$0x1] =	wrdreg $0xFFFFFFFF  }
0xc0: {  	_ =	task.clear_ibuf [dreg:s6], $0x2FFFF;
	_ =	strace $0x9FFFFFFF  }
0xc1: {  	(tm) =	ssettm $0x7FFFFFFF  }
tec
execute0_lowered:
.L_overlay_start_1:
0x0: {  	(tag) =	ssettag $0x1  }
0x1: {  	s3 =	rddreg [dreg:$0x0]  }
0x2: {  	s0 =	rddreg [dreg:$0x1];
	s1 =	stileid.u32  }
0x3: {  	s4 =	srdreg.scid;
	s5 =	smul.u32 $0x5000, s1  }
0x4: {  	s2 =	simm.s32 $0x0;
	s4 =	sand.u32 $0x1, s4;
	s29 =	smul.u32 $0x50000, s1  }
0x5: {  	[smem:$0x7FF] =	sst s2;
	s6 =	smul.u32 $0x2800, s4  }
0x6: {  	_ =	strace $0x8000004D;
	s7 =	ssub.s32 $0x2, s4;
	s9 =	smul.u32 $0x28000, s4  }
0x7: {  	s8 =	sshrl.u32 s7, $0x1;
	s30 =	sadd.s32 s29, s3;
	s5 =	sadd.s32 s6, s5  }
0x8: {  	s31 =	ssub.s32 s7, s8;
	s7 =	simm.s32 $0x2;
	s5 =	sshrl.u32 s5, $0x3  }
0x9: {  	s8 =	simm.s32 $0x80;
	s4 =	smax.u32 s31, $0x1;
	s10 =	sadd.s32 s5, s3  }
0xa: {  	s3 =	sadd.s32 $0xC6400, s3;
	s5 =	sadd.s32 s9, s30;
	s9 =	simm.s32 $0x1  }
0xb: {  	s5 =	sadd.s32 $0x110400, s5;
	s6 =	sadd.s32 $0x106400, s10;
	s10 =	simm.s32 $0x0  }
.LBB2_1:
0xc: {  	s11 =	sadd.s32 $0x0, s6  }
0xd: {  	[tilespmem:s2], [sflag:$0x2] =	stream.linear.gather [hbm4b:s11+s2], $0x80, $0x38;
	[tilespmem:$0x4080] =	vst v63  }
0xe: {  	_ =	swait.ge [sflag:s7], $0x80  }
0xf: {  	[sflag:s7] =	ssyncset.done $0x0  }
0x10: {  	[sflag:s7] =	ssyncadd.s32 $0xFFFFFF80  }
0x11: {  	[tilespmem:s8], [sflag:$0x1] =	stream.indirect.gather [hbm4b:s3+s8], $0x80, s2, s8, $0xb8;
	[tilespmem:$0x4080] =	vst v63  }
0x12: {  	_ =	swait.ge [sflag:s9], $0x4000  }
0x13: {  	[sflag:s9] =	ssyncset.done $0x0  }
0x14: {  	[sflag:s9] =	ssyncadd.s32 $0xFFFFC000  }
0x15: {  	[hbm4b:s5+s2] =	stream.linear.scatter [tilespmem:s8], [sflag:$0x2], $0x4000, $0x38;
	[tilespmem:$0x4080] =	vst v63  }
0x16: {  	s12 =	simm.s32 $0x10;
	_ =	swait.ge [sflag:s7], $0x4000  }
0x17: {  	s13 =	simm.s32 $0x20;
	s11 =	sadd.s32 $0x800, s5;
	[sflag:s7] =	ssyncset.done $0x0  }
.LBB2_2:
0x18: {  	s14 =	sadd.s32 s12, s6  }
0x19: {  	[sflag:s7] =	ssyncadd.s32 $0xFFFFC000;
	s12 =	smov.u32 s13;
	s15 =	sadd.s32 $0x10, s13  }
0x1a: {  	[tilespmem:s2], [sflag:$0x2] =	stream.linear.gather [hbm4b:s14+s2], $0x80, $0x38;
	[tilespmem:$0x4080] =	vst v63  }
0x1b: {  	p0 =	sne.s32 s13, $0x4F0;
	_ =	swait.ge [sflag:s7], $0x80  }
0x1c: {  	[sflag:s7] =	ssyncset.done $0x0  }
0x1d: {  	[sflag:s7] =	ssyncadd.s32 $0xFFFFFF80  }
0x1e: {  	[tilespmem:s8], [sflag:$0x1] =	stream.indirect.gather [hbm4b:s3+s8], $0x80, s2, s8, $0xb8;
	[tilespmem:$0x4080] =	vst v63  }
0x1f: {  	_ =	swait.ge [sflag:s9], $0x4000  }
.Ltmp0:
0x20: {  	[sflag:s9] =	ssyncset.done $0x0;
	(pc) =	sbr.rel @p0 .LBB2_2-.Ltmp0, $4  }
0x21: {  	[sflag:s9] =	ssyncadd.s32 $0xFFFFC000  }
0x22: {  	[hbm4b:s11+s2] =	stream.linear.scatter [tilespmem:s8], [sflag:$0x2], $0x4000, $0x38;
	[tilespmem:$0x4080] =	vst v63  }
0x23: {  	_ =	swait.ge [sflag:s7], $0x4000  }
0x24: {  	s13 =	smov.u32 s15;
	s11 =	sadd.s32 $0x800, s11;
	[sflag:s7] =	ssyncset.done $0x0  }
0x25: {  	s12 =	sadd.s32 s12, s6;
	[sflag:s7] =	ssyncadd.s32 $0xFFFFC000  }
0x26: {  	[tilespmem:s2], [sflag:$0x2] =	stream.linear.gather [hbm4b:s12+s2], $0x80, $0x38;
	[tilespmem:$0x4080] =	vst v63  }
0x27: {  	_ =	swait.ge [sflag:s7], $0x80  }
0x28: {  	[sflag:s7] =	ssyncset.done $0x0  }
0x29: {  	[sflag:s7] =	ssyncadd.s32 $0xFFFFFF80  }
0x2a: {  	[tilespmem:s8], [sflag:$0x1] =	stream.indirect.gather [hbm4b:s3+s8], $0x80, s2, s8, $0xb8;
	[tilespmem:$0x4080] =	vst v63  }
0x2b: {  	s10 =	sadd.s32 $0x1, s10;
	_ =	swait.ge [sflag:s9], $0x4000  }
0x2c: {  	p0 =	sne.s32 s10, s4;
	[sflag:s9] =	ssyncset.done $0x0  }
.Ltmp1:
0x2d: {  	[sflag:s9] =	ssyncadd.s32 $0xFFFFC000;
	(pc) =	sbr.rel @p0 .LBB2_1-.Ltmp1, $4  }
0x2e: {  	[hbm4b:s11+s2] =	stream.linear.scatter [tilespmem:s8], [sflag:$0x2], $0x4000, $0x38;
	[tilespmem:$0x4080] =	vst v63  }
0x2f: {  	_ =	swait.ge [sflag:s7], $0x4000  }
0x30: {  	[sflag:s7] =	ssyncset.done $0x0  }
0x31: {  	[sflag:s7] =	ssyncadd.s32 $0xFFFFC000  }
0x32: {  	_ =	sfence.sel $0x180000  }
0x33: {  	[bflag:$0x0] =	sbarrier.arrive $0xFFFF  }
0x34: {  	p0 =	sne.s32 s1, $0x0;
	_ =	strace $0x9000004D  }
0x35: {  	s0 =	sadd.s32 @!p0 $0x100000, s0;
	[bflag:$0x2] =	sbarrier.arrive $0xFFFF  }
0x36: {  	[sflag:s0] =	ssyncadd.tile.s32 @!p0 $0x1;
	_ =	shalt  }
.Lfunc_end2:
_tile_overlayer_lowered:
.L_overlay_start_2:
0x37: {  	(tag) =	ssettag $0x2  }
0x38: {  	s0 =	rddreg [dreg:$0x0];
	s2 =	stileid.u32  }
0x39: {  	s1 =	rddreg [dreg:$0x1];
	p0 =	sne.s32 s2, $0x0  }
0x3a: {  	s3 =	rddreg [dreg:$0x2];
	[bflag:$0x3] =	sbarrier.arrive $0xFFFF;
	s2 =	simm.s32 @!p0 $0x1C02  }
0x3b: {  	[timem:s3], [sflag:s2] =	dma.local @!p0 [hbm:s0], s1  }
0x3c: {  	s0 =	simm.s32 @!p0 $0x2  }
0x3d: {  	_ =	swait.ge @!p0 [sflag:s0], s1  }
0x3e: {  	s1 =	ssub.s32 @!p0 $0x0, s1;
	[sflag:s0] =	ssyncset.done @!p0 $0x0  }
0x3f: {  	[sflag:s0] =	ssyncadd.s32 @!p0 s1  }
0x40: {  	[bflag:$0x3] =	sbarrier.arrive $0xFFFF  }
0x41: {  	_ =	shalt  }

</sc_bundles>
